<compile_context>
chip_gen: v7x
topology: tpu7x:2x2x1
jax: 0.10.2.dev20260603
libtpu: 0.0.44.dev20260713+nightly
codegen_flags: <defaults>
</compile_context>

<pallas_src>
import functools

import jax
import jax.numpy as jnp
from jax import lax
from jax.experimental import pallas as pl
from jax.experimental.pallas import tpu as pltpu
from jax.experimental.pallas import tpu_sc as plsc

EMB = 128
N_NODES = 10000
N_EDGES = 320000
MAX_DEPTH = 20

_NC, _NS, _L = 2, 16, 16
_NW = _NC * _NS

_EB = 256
_ECH = 39
_EW = _EB * _ECH
_EQ = _EW // 8
_TAIL_BASE = _EW * _NW
_TAIL = N_EDGES - _TAIL_BASE

_NP = 12288
_N_PER_W = _NP // _NW

_NB = 2000
_TT_PAD = 104
_DT_PAD = 24


def _mesh():
    return plsc.VectorSubcoreMesh(
        core_axis_name="c", subcore_axis_name="s",
        num_cores=_NC, num_subcores=_NS)



def _comb_body(df_ref, ast_ref, out_ref):
    row = lax.broadcasted_iota(jnp.int32, (32, EMB), 0)
    acc = jnp.zeros((32, EMB), jnp.float32)
    for k in range(8):
        acc = acc + jnp.where(row // 4 == k, df_ref[k:k + 1, :], 0.0)
    for k in range(4):
        acc = acc + jnp.where(row % 4 == k, ast_ref[k:k + 1, :], 0.0)
    out_ref[...] = acc


def _comb_table(edge_df_table, edge_ast_table):
    return pl.pallas_call(
        _comb_body,
        out_shape=jax.ShapeDtypeStruct((32, EMB), jnp.float32),
    )(edge_df_table, edge_ast_table)



def _edge_body(et_hbm, en_hbm, comb_hbm, na_hbm, atab_hbm,
               out_hbm, attr_hbm,
               t_q, n_q, c_v, c_t, ai_v, rows_v, nrows_v, comb_sh,
               isem, gsem0, gsem1, osem, nsem):
    wid = lax.axis_index("s") * _NC + lax.axis_index("c")
    base_w = wid * _EW
    nbase = wid * _N_PER_W

    pltpu.async_copy(na_hbm.at[pl.ds(nbase, _N_PER_W)], ai_v, isem).wait()
    pltpu.async_copy(atab_hbm.at[ai_v], nrows_v, nsem)

    @pl.when(lax.axis_index("s") == 0)
    def _():
        pltpu.sync_copy(comb_hbm, comb_sh)

    for qr in range(8):
        qoff = qr * _EQ
        a = pltpu.async_copy(et_hbm.at[pl.ds(base_w + qoff, _EQ)], t_q, isem)
        b = pltpu.async_copy(en_hbm.at[pl.ds(base_w + qoff, _EQ)], n_q, isem)
        a.wait()
        b.wait()

        def cbody(i, carry, qoff=qoff):
            sl = pl.ds(i * _L, _L)
            c_v[pl.ds(qoff + i * _L, _L)] = t_q[sl] * 4 + n_q[sl]
            return carry
        lax.fori_loop(0, _EQ // _L, cbody, 0)

    plsc.subcore_barrier()

    @pl.when(wid == _NW - 1)
    def _():
        a = pltpu.async_copy(et_hbm.at[pl.ds(_TAIL_BASE, _TAIL)],
                             t_q.at[pl.ds(0, _TAIL)], isem)
        b = pltpu.async_copy(en_hbm.at[pl.ds(_TAIL_BASE, _TAIL)],
                             n_q.at[pl.ds(0, _TAIL)], isem)
        a.wait()
        b.wait()

        def tbody(i, carry):
            sl = pl.ds(i * _L, _L)
            c_t[sl] = t_q[sl] * 4 + n_q[sl]
            return carry
        lax.fori_loop(0, _TAIL // _L, tbody, 0)
        for h in range(2):
            pltpu.async_copy(comb_sh.at[c_t.at[pl.ds(h * _EB, _EB)]],
                             rows_v.at[0], gsem0).wait()
            pltpu.sync_copy(rows_v.at[0],
                            out_hbm.at[pl.ds(_TAIL_BASE + h * _EB, _EB)])

    def issue_gather(j, slot, gsem):
        pltpu.async_copy(comb_sh.at[c_v.at[pl.ds(_EB * j, _EB)]],
                         rows_v.at[slot], gsem)

    def wait_gather(slot, gsem):
        pltpu.make_async_copy(comb_sh.at[c_v.at[pl.ds(0, _EB)]],
                              rows_v.at[slot], gsem).wait()

    def issue_write(j, slot):
        pltpu.async_copy(rows_v.at[slot],
                         out_hbm.at[pl.ds(base_w + _EB * j, _EB)], osem)

    def wait_write(slot):
        pltpu.make_async_copy(rows_v.at[slot],
                              out_hbm.at[pl.ds(0, _EB)], osem).wait()

    issue_gather(0, 0, gsem0)

    def step(j, sp, sq, gsem_p, gsem_q):
        @pl.when(j >= 1)
        def _():
            wait_write(sq)

        @pl.when(j + 1 < _ECH)
        def _():
            issue_gather(j + 1, sq, gsem_q)

        wait_gather(sp, gsem_p)
        issue_write(j, sp)

    def body(j, carry):
        @pl.when(j % 2 == 0)
        def _():
            step(j, 0, 1, gsem0, gsem1)

        @pl.when(j % 2 == 1)
        def _():
            step(j, 1, 0, gsem1, gsem0)
        return carry

    lax.fori_loop(0, _ECH, body, 0)
    wait_write(1)

    pltpu.make_async_copy(atab_hbm.at[ai_v], nrows_v, nsem).wait()
    pltpu.sync_copy(nrows_v, attr_hbm.at[pl.ds(nbase, _N_PER_W)])


def _edge_sc(et, en, comb, na2, atab):
    f = functools.partial(
        pl.kernel,
        out_type=(jax.ShapeDtypeStruct((N_EDGES, EMB), jnp.float32),
                  jax.ShapeDtypeStruct((_NP, EMB), jnp.float32)),
        mesh=_mesh(),
        scratch_types=[
            pltpu.VMEM((_EQ,), jnp.int32),
            pltpu.VMEM((_EQ,), jnp.int32),
            pltpu.VMEM((_EW,), jnp.int32),
            pltpu.VMEM((_TAIL,), jnp.int32),
            pltpu.VMEM((_N_PER_W,), jnp.int32),
            pltpu.VMEM((2, _EB, EMB), jnp.float32),
            pltpu.VMEM((_N_PER_W, EMB), jnp.float32),
            pltpu.VMEM_SHARED((32, EMB), jnp.float32),
            pltpu.SemaphoreType.DMA,
            pltpu.SemaphoreType.DMA,
            pltpu.SemaphoreType.DMA,
            pltpu.SemaphoreType.DMA,
            pltpu.SemaphoreType.DMA,
        ],
    )(_edge_body)
    return f(et, en, comb, na2, atab)



def _nodesum_body(attr_ref, nt_ref, dp_ref, ttab_ref, dtab_ref, out_ref):
    ntv = nt_ref[0]
    dpv = jnp.minimum(dp_ref[0], MAX_DEPTH)
    kt = lax.broadcasted_iota(jnp.int32, (_TT_PAD, _NB), 0)
    hot_t = (kt == ntv).astype(jnp.float32)
    kd = lax.broadcasted_iota(jnp.int32, (_DT_PAD, _NB), 0)
    hot_d = (kd == dpv).astype(jnp.float32)
    dn = (((0,), (0,)), ((), ()))
    te = lax.dot_general(hot_t, ttab_ref[...], dn,
                         precision=lax.Precision.HIGHEST,
                         preferred_element_type=jnp.float32)
    de = lax.dot_general(hot_d, dtab_ref[...], dn,
                         precision=lax.Precision.HIGHEST,
                         preferred_element_type=jnp.float32)
    out_ref[...] = attr_ref[...] + te + de


def _node_sum_tc(attr_rows, nt3, dp3, ttab_p, dtab_p):
    grid = (N_NODES // _NB,)
    return pl.pallas_call(
        _nodesum_body,
        grid=grid,
        in_specs=[
            pl.BlockSpec((_NB, EMB), lambda i: (i, 0)),
            pl.BlockSpec((1, 1, _NB), lambda i: (i, 0, 0)),
            pl.BlockSpec((1, 1, _NB), lambda i: (i, 0, 0)),
            pl.BlockSpec((_TT_PAD, EMB), lambda i: (0, 0)),
            pl.BlockSpec((_DT_PAD, EMB), lambda i: (0, 0)),
        ],
        out_specs=pl.BlockSpec((_NB, EMB), lambda i: (i, 0)),
        out_shape=jax.ShapeDtypeStruct((N_NODES, EMB), jnp.float32),
    )(attr_rows, nt3, dp3, ttab_p, dtab_p)


def _pad1d(x, total):
    return jnp.pad(x, (0, total - x.shape[0]))


def kernel(nodes, depth, edge_type, edge_name, node_type_table,
           node_attr_table, depth_table, edge_df_table, edge_ast_table):
    na2 = _pad1d(nodes[:, 1].astype(jnp.int32), _NP)
    nt3 = nodes[:, 0].astype(jnp.int32).reshape(N_NODES // _NB, 1, _NB)
    dp3 = depth[:, 0].astype(jnp.int32).reshape(N_NODES // _NB, 1, _NB)
    et = edge_type.astype(jnp.int32)
    en = edge_name.astype(jnp.int32)
    ttab_p = jnp.pad(node_type_table, ((0, _TT_PAD - 100), (0, 0)))
    dtab_p = jnp.pad(depth_table, ((0, _DT_PAD - (MAX_DEPTH + 1)), (0, 0)))

    comb = _comb_table(edge_df_table, edge_ast_table)
    edge_out, attr_rows = _edge_sc(et, en, comb, na2, node_attr_table)
    node_out = _node_sum_tc(attr_rows, nt3, dp3, ttab_p, dtab_p)
    return (node_out, edge_out)

# --- scband reference (transcript-rebuilt; emitter-appended) ---
"""Pipeline reference for scband-data-flow-astencoder-35450660061788 (READ-ONLY COPY).

The authoritative reference and input builder live on the scoring server;
editing this copy changes nothing except your own understanding.
"""

import jax, jax.numpy as jnp
import numpy as np

EMB_DIM = 128
NUM_NODETYPES = 100
NUM_NODEATTRIBUTES = 10000
MAX_DEPTH = 20
NUM_EDGE_DF_TYPES = 8
NUM_EDGE_AST_TYPES = 4
N_NODES = 10000
N_EDGES = 320000


def setup_inputs(seed: int = 0) -> dict:
    key = jax.random.key(seed)
    ks = jax.random.split(key, 9)
    nodes = jax.random.randint(ks[0], (N_NODES, 2), 0, 100, dtype=jnp.int64 if jax.config.jax_enable_x64 else jnp.int32)
    depth = jax.random.randint(ks[1], (N_NODES, 1), 0, 30, dtype=nodes.dtype)
    edge_type = jax.random.randint(ks[2], (N_EDGES,), 0, NUM_EDGE_DF_TYPES, dtype=nodes.dtype)
    edge_name = jax.random.randint(ks[3], (N_EDGES,), 0, NUM_EDGE_AST_TYPES, dtype=nodes.dtype)
    # learned parameters (hk.Embed tables), truncated-normal-ish init
    node_type_table = jax.random.normal(ks[4], (NUM_NODETYPES, EMB_DIM), dtype=jnp.float32) * 0.02
    node_attr_table = jax.random.normal(ks[5], (NUM_NODEATTRIBUTES, EMB_DIM), dtype=jnp.float32) * 0.02
    depth_table = jax.random.normal(ks[6], (MAX_DEPTH + 1, EMB_DIM), dtype=jnp.float32) * 0.02
    edge_df_table = jax.random.normal(ks[7], (NUM_EDGE_DF_TYPES, EMB_DIM), dtype=jnp.float32) * 0.02
    edge_ast_table = jax.random.normal(ks[8], (NUM_EDGE_AST_TYPES, EMB_DIM), dtype=jnp.float32) * 0.02
    return {
        'nodes': nodes,
        'depth': depth,
        'edge_type': edge_type,
        'edge_name': edge_name,
        'node_type_table': node_type_table,
        'node_attr_table': node_attr_table,
        'depth_table': depth_table,
        'edge_df_table': edge_df_table,
        'edge_ast_table': edge_ast_table,
    }


def reference(nodes, depth, edge_type, edge_name, node_type_table, node_attr_table, depth_table, edge_df_table, edge_ast_table):
    # eval-mode path (is_training=False): no attribute dropout
    node_type = nodes[..., 0]
    node_attribute = nodes[..., 1]
    node_feats = jnp.take(node_type_table, node_type, axis=0) + jnp.take(node_attr_table, node_attribute, axis=0)
    depth_clipped = jnp.where(depth > MAX_DEPTH, MAX_DEPTH, depth)
    node_feats = node_feats + jnp.take(depth_table, depth_clipped[..., 0], axis=0)
    edge_feats = jnp.take(edge_df_table, edge_type, axis=0) + jnp.take(edge_ast_table, edge_name, axis=0)
    return (node_feats, edge_feats)

if __name__ == "__main__":
    import jax
    _d = setup_inputs()
    print(jax.jit(kernel)(*tuple(_d.values())))

</pallas_src>

<mosaic_0001>
#map = affine_map<(d0, d1) -> (0)>
#map1 = affine_map<(d0, d1) -> (0, 0)>
module attributes {stable_mosaic.version = 14 : i64} {
  func.func @_edge_body(%arg0: i32, %arg1: i32, %arg2: memref<320000xi32, #tpu.memory_space<hbm>>, %arg3: memref<320000xi32, #tpu.memory_space<hbm>>, %arg4: memref<32x128xf32, #tpu.memory_space<hbm>>, %arg5: memref<12288xi32, #tpu.memory_space<hbm>>, %arg6: memref<10000x128xf32, #tpu.memory_space<hbm>>, %arg7: memref<320000x128xf32, #tpu.memory_space<hbm>>, %arg8: memref<12288x128xf32, #tpu.memory_space<hbm>>, %arg9: memref<1248xi32, #tpu.memory_space<vmem>>, %arg10: memref<1248xi32, #tpu.memory_space<vmem>>, %arg11: memref<9984xi32, #tpu.memory_space<vmem>>, %arg12: memref<512xi32, #tpu.memory_space<vmem>>, %arg13: memref<384xi32, #tpu.memory_space<vmem>>, %arg14: memref<2x256x128xf32, #tpu.memory_space<vmem>>, %arg15: memref<384x128xf32, #tpu.memory_space<vmem>>, %arg16: memref<32x128xf32, #tpu.memory_space<vmem_shared>>, %arg17: memref<!tpu.dma_semaphore, #tpu.memory_space<semaphore_mem>>, %arg18: memref<!tpu.dma_semaphore, #tpu.memory_space<semaphore_mem>>, %arg19: memref<!tpu.dma_semaphore, #tpu.memory_space<semaphore_mem>>, %arg20: memref<!tpu.dma_semaphore, #tpu.memory_space<semaphore_mem>>, %arg21: memref<!tpu.dma_semaphore, #tpu.memory_space<semaphore_mem>>) attributes {dimension_semantics = [#tpu.dimension_semantics<core_parallel>, #tpu.dimension_semantics<subcore_parallel>], iteration_bounds = array<i64: 2, 16>, scalar_prefetch = 0 : i64, scratch_operands = 13 : i64, tpu.core_type = #tpu.core_type<sc_vector_subcore>, window_params = [{transform_indices = #map}, {transform_indices = #map}, {transform_indices = #map1}, {transform_indices = #map}, {transform_indices = #map1}, {transform_indices = #map1}, {transform_indices = #map1}]} {
    %mul3A = arith.constant 2 : i32
    %mul3A_0 = arith.muli %arg1, %mul3A : i32
    %add3A = arith.addi %mul3A_0, %arg0 : i32
    %mul3A_1 = arith.constant 9984 : i32
    %mul3A_2 = arith.muli %add3A, %mul3A_1 : i32
    %mul3A_3 = arith.constant 384 : i32
    %mul3A_4 = arith.muli %add3A, %mul3A_3 : i32
    %dma_start3A = tpu.memref_slice %arg5[%mul3A_4] : memref<12288xi32, #tpu.memory_space<hbm>> -> memref<384xi32, #tpu.memory_space<hbm>>
    %dma_start3A_5 = tpu.memref_slice %arg5[%mul3A_4] : memref<12288xi32, #tpu.memory_space<hbm>> -> memref<384xi32, #tpu.memory_space<hbm>>
    tpu.enqueue_dma source(%dma_start3A_5 : memref<384xi32, #tpu.memory_space<hbm>>) target(%arg13 : memref<384xi32, #tpu.memory_space<vmem>>) target_semaphore(%arg17 : memref<!tpu.dma_semaphore, #tpu.memory_space<semaphore_mem>>)
    %dma_wait3A = tpu.memref_slice %arg5[%mul3A_4] : memref<12288xi32, #tpu.memory_space<hbm>> -> memref<384xi32, #tpu.memory_space<hbm>>
    %dma_wait3A_6 = tpu.memref_slice %arg5[%mul3A_4] : memref<12288xi32, #tpu.memory_space<hbm>> -> memref<384xi32, #tpu.memory_space<hbm>>
    tpu.wait_dma2 semaphore(%arg17 : memref<!tpu.dma_semaphore, #tpu.memory_space<semaphore_mem>>) src(%dma_wait3A_6 : memref<384xi32, #tpu.memory_space<hbm>>) dst(%arg13 : memref<384xi32, #tpu.memory_space<vmem>>)
    %dma_start3A_7 = arith.constant 0 : i32
    %dma_start3A_8 = arith.constant 0 : i32
    %dma_start3A_9 = tpu.memref_slice %arg6[%dma_start3A_7, %dma_start3A_8] : memref<10000x128xf32, #tpu.memory_space<hbm>> -> memref<10000x128xf32, #tpu.memory_space<hbm>>
    tpu.enqueue_indirect_dma source(%dma_start3A_9 : memref<10000x128xf32, #tpu.memory_space<hbm>>) target(%arg15 : memref<384x128xf32, #tpu.memory_space<vmem>>) offsets(%arg13 : memref<384xi32, #tpu.memory_space<vmem>>) semaphore(%arg21 : memref<!tpu.dma_semaphore, #tpu.memory_space<semaphore_mem>>)
    %eq3A = arith.constant 0 : i32
    %eq3A_10 = arith.cmpi eq, %arg1, %eq3A : i32
    %convert_element_type3A = arith.extui %eq3A_10 : i1 to i32
    %cond3A = arith.constant 0 : i32
    %cond3A_11 = arith.cmpi ne, %convert_element_type3A, %cond3A : i32
    scf.if %cond3A_11 {
      "tpu.region"() ({
        %run_scoped3A = tpu.sem_alloc : memref<!tpu.dma_semaphore, #tpu.memory_space<semaphore_mem>>
        tpu.enqueue_dma source(%arg4 : memref<32x128xf32, #tpu.memory_space<hbm>>) target(%arg16 : memref<32x128xf32, #tpu.memory_space<vmem_shared>>) target_semaphore(%run_scoped3A : memref<!tpu.dma_semaphore, #tpu.memory_space<semaphore_mem>>)
        tpu.wait_dma2 semaphore(%run_scoped3A : memref<!tpu.dma_semaphore, #tpu.memory_space<semaphore_mem>>) src(%arg4 : memref<32x128xf32, #tpu.memory_space<hbm>>) dst(%arg16 : memref<32x128xf32, #tpu.memory_space<vmem_shared>>)
        tpu.yield
      }) : () -> ()
    } else {
    }
    %add3A_12 = arith.constant 0 : i32
    %add3A_13 = arith.addi %mul3A_2, %add3A_12 : i32
    %dma_start3A_14 = tpu.memref_slice %arg2[%add3A_13] : memref<320000xi32, #tpu.memory_space<hbm>> -> memref<1248xi32, #tpu.memory_space<hbm>>
    %dma_start3A_15 = tpu.memref_slice %arg2[%add3A_13] : memref<320000xi32, #tpu.memory_space<hbm>> -> memref<1248xi32, #tpu.memory_space<hbm>>
    tpu.enqueue_dma source(%dma_start3A_15 : memref<1248xi32, #tpu.memory_space<hbm>>) target(%arg9 : memref<1248xi32, #tpu.memory_space<vmem>>) target_semaphore(%arg17 : memref<!tpu.dma_semaphore, #tpu.memory_space<semaphore_mem>>)
    %add3A_16 = arith.constant 0 : i32
    %add3A_17 = arith.addi %mul3A_2, %add3A_16 : i32
    %dma_start3A_18 = tpu.memref_slice %arg3[%add3A_17] : memref<320000xi32, #tpu.memory_space<hbm>> -> memref<1248xi32, #tpu.memory_space<hbm>>
    %dma_start3A_19 = tpu.memref_slice %arg3[%add3A_17] : memref<320000xi32, #tpu.memory_space<hbm>> -> memref<1248xi32, #tpu.memory_space<hbm>>
    tpu.enqueue_dma source(%dma_start3A_19 : memref<1248xi32, #tpu.memory_space<hbm>>) target(%arg10 : memref<1248xi32, #tpu.memory_space<vmem>>) target_semaphore(%arg17 : memref<!tpu.dma_semaphore, #tpu.memory_space<semaphore_mem>>)
    %dma_wait3A_20 = tpu.memref_slice %arg2[%add3A_13] : memref<320000xi32, #tpu.memory_space<hbm>> -> memref<1248xi32, #tpu.memory_space<hbm>>
    %dma_wait3A_21 = tpu.memref_slice %arg2[%add3A_13] : memref<320000xi32, #tpu.memory_space<hbm>> -> memref<1248xi32, #tpu.memory_space<hbm>>
    tpu.wait_dma2 semaphore(%arg17 : memref<!tpu.dma_semaphore, #tpu.memory_space<semaphore_mem>>) src(%dma_wait3A_21 : memref<1248xi32, #tpu.memory_space<hbm>>) dst(%arg9 : memref<1248xi32, #tpu.memory_space<vmem>>)
    %dma_wait3A_22 = tpu.memref_slice %arg3[%add3A_17] : memref<320000xi32, #tpu.memory_space<hbm>> -> memref<1248xi32, #tpu.memory_space<hbm>>
    %dma_wait3A_23 = tpu.memref_slice %arg3[%add3A_17] : memref<320000xi32, #tpu.memory_space<hbm>> -> memref<1248xi32, #tpu.memory_space<hbm>>
    tpu.wait_dma2 semaphore(%arg17 : memref<!tpu.dma_semaphore, #tpu.memory_space<semaphore_mem>>) src(%dma_wait3A_23 : memref<1248xi32, #tpu.memory_space<hbm>>) dst(%arg10 : memref<1248xi32, #tpu.memory_space<vmem>>)
    %scan3A = arith.constant 0 : i32
    %scan3A_24 = arith.constant 0 : i32
    %scan3A_25 = arith.constant 78 : i32
    %scan3A_26 = arith.addi %scan3A_24, %scan3A_25 : i32
    %scan3A_27 = arith.constant 1 : i32
    scf.for %scan3A_194 = %scan3A_24 to %scan3A_26 step %scan3A_27  : i32 {
      %mul3A_195 = arith.constant 16 : i32
      %mul3A_196 = arith.muli %scan3A_194, %mul3A_195 : i32
      %get3A = arith.index_cast %mul3A_196 : i32 to index
      %get3A_197 = tpu.vector_load %arg9[%get3A] {strides = array<i32>} : memref<1248xi32, #tpu.memory_space<vmem>>, vector<16xi32>,
      %get3A_198 = vector.shape_cast %get3A_197 : vector<16xi32> to vector<16xi32>
      %mul3A_199 = arith.constant 4 : i32
      %mul3A_200 = vector.broadcast %mul3A_199 : i32 to vector<16xi32>
      %mul3A_201 = arith.muli %get3A_198, %mul3A_200 : vector<16xi32>
      %get3A_202 = arith.index_cast %mul3A_196 : i32 to index
      %get3A_203 = tpu.vector_load %arg10[%get3A_202] {strides = array<i32>} : memref<1248xi32, #tpu.memory_space<vmem>>, vector<16xi32>,
      %get3A_204 = vector.shape_cast %get3A_203 : vector<16xi32> to vector<16xi32>
      %add3A_205 = arith.addi %mul3A_201, %get3A_204 : vector<16xi32>
      %mul3A_206 = arith.constant 16 : i32
      %mul3A_207 = arith.muli %scan3A_194, %mul3A_206 : i32
      %add3A_208 = arith.constant 0 : i32
      %add3A_209 = arith.addi %add3A_208, %mul3A_207 : i32
      %swap3A = arith.index_cast %add3A_209 : i32 to index
      %swap3A_210 = tpu.vector_load %arg11[%swap3A] {strides = array<i32>} : memref<9984xi32, #tpu.memory_space<vmem>>, vector<16xi32>,
      %swap3A_211 = vector.shape_cast %swap3A_210 : vector<16xi32> to vector<16xi32>
      %swap3A_212 = vector.shape_cast %add3A_205 : vector<16xi32> to vector<16xi32>
      tpu.vector_store %arg11[%swap3A], %swap3A_212 {strides = array<i32>} : memref<9984xi32, #tpu.memory_space<vmem>>, vector<16xi32>,
    }
    %scan3A_28 = arith.constant 78 : i32
    %add3A_29 = arith.constant 1248 : i32
    %add3A_30 = arith.addi %mul3A_2, %add3A_29 : i32
    %dma_start3A_31 = tpu.memref_slice %arg2[%add3A_30] : memref<320000xi32, #tpu.memory_space<hbm>> -> memref<1248xi32, #tpu.memory_space<hbm>>
    %dma_start3A_32 = tpu.memref_slice %arg2[%add3A_30] : memref<320000xi32, #tpu.memory_space<hbm>> -> memref<1248xi32, #tpu.memory_space<hbm>>
    tpu.enqueue_dma source(%dma_start3A_32 : memref<1248xi32, #tpu.memory_space<hbm>>) target(%arg9 : memref<1248xi32, #tpu.memory_space<vmem>>) target_semaphore(%arg17 : memref<!tpu.dma_semaphore, #tpu.memory_space<semaphore_mem>>)
    %add3A_33 = arith.constant 1248 : i32
    %add3A_34 = arith.addi %mul3A_2, %add3A_33 : i32
    %dma_start3A_35 = tpu.memref_slice %arg3[%add3A_34] : memref<320000xi32, #tpu.memory_space<hbm>> -> memref<1248xi32, #tpu.memory_space<hbm>>
    %dma_start3A_36 = tpu.memref_slice %arg3[%add3A_34] : memref<320000xi32, #tpu.memory_space<hbm>> -> memref<1248xi32, #tpu.memory_space<hbm>>
    tpu.enqueue_dma source(%dma_start3A_36 : memref<1248xi32, #tpu.memory_space<hbm>>) target(%arg10 : memref<1248xi32, #tpu.memory_space<vmem>>) target_semaphore(%arg17 : memref<!tpu.dma_semaphore, #tpu.memory_space<semaphore_mem>>)
    %dma_wait3A_37 = tpu.memref_slice %arg2[%add3A_30] : memref<320000xi32, #tpu.memory_space<hbm>> -> memref<1248xi32, #tpu.memory_space<hbm>>
    %dma_wait3A_38 = tpu.memref_slice %arg2[%add3A_30] : memref<320000xi32, #tpu.memory_space<hbm>> -> memref<1248xi32, #tpu.memory_space<hbm>>
    tpu.wait_dma2 semaphore(%arg17 : memref<!tpu.dma_semaphore, #tpu.memory_space<semaphore_mem>>) src(%dma_wait3A_38 : memref<1248xi32, #tpu.memory_space<hbm>>) dst(%arg9 : memref<1248xi32, #tpu.memory_space<vmem>>)
    %dma_wait3A_39 = tpu.memref_slice %arg3[%add3A_34] : memref<320000xi32, #tpu.memory_space<hbm>> -> memref<1248xi32, #tpu.memory_space<hbm>>
    %dma_wait3A_40 = tpu.memref_slice %arg3[%add3A_34] : memref<320000xi32, #tpu.memory_space<hbm>> -> memref<1248xi32, #tpu.memory_space<hbm>>
    tpu.wait_dma2 semaphore(%arg17 : memref<!tpu.dma_semaphore, #tpu.memory_space<semaphore_mem>>) src(%dma_wait3A_40 : memref<1248xi32, #tpu.memory_space<hbm>>) dst(%arg10 : memref<1248xi32, #tpu.memory_space<vmem>>)
    %scan3A_41 = arith.constant 0 : i32
    %scan3A_42 = arith.constant 0 : i32
    %scan3A_43 = arith.constant 78 : i32
    %scan3A_44 = arith.addi %scan3A_42, %scan3A_43 : i32
    %scan3A_45 = arith.constant 1 : i32
    scf.for %scan3A_194 = %scan3A_42 to %scan3A_44 step %scan3A_45  : i32 {
      %mul3A_195 = arith.constant 16 : i32
      %mul3A_196 = arith.muli %scan3A_194, %mul3A_195 : i32
      %get3A = arith.index_cast %mul3A_196 : i32 to index
      %get3A_197 = tpu.vector_load %arg9[%get3A] {strides = array<i32>} : memref<1248xi32, #tpu.memory_space<vmem>>, vector<16xi32>,
      %get3A_198 = vector.shape_cast %get3A_197 : vector<16xi32> to vector<16xi32>
      %mul3A_199 = arith.constant 4 : i32
      %mul3A_200 = vector.broadcast %mul3A_199 : i32 to vector<16xi32>
      %mul3A_201 = arith.muli %get3A_198, %mul3A_200 : vector<16xi32>
      %get3A_202 = arith.index_cast %mul3A_196 : i32 to index
      %get3A_203 = tpu.vector_load %arg10[%get3A_202] {strides = array<i32>} : memref<1248xi32, #tpu.memory_space<vmem>>, vector<16xi32>,
      %get3A_204 = vector.shape_cast %get3A_203 : vector<16xi32> to vector<16xi32>
      %add3A_205 = arith.addi %mul3A_201, %get3A_204 : vector<16xi32>
      %mul3A_206 = arith.constant 16 : i32
      %mul3A_207 = arith.muli %scan3A_194, %mul3A_206 : i32
      %add3A_208 = arith.constant 1248 : i32
      %add3A_209 = arith.addi %add3A_208, %mul3A_207 : i32
      %swap3A = arith.index_cast %add3A_209 : i32 to index
      %swap3A_210 = tpu.vector_load %arg11[%swap3A] {strides = array<i32>} : memref<9984xi32, #tpu.memory_space<vmem>>, vector<16xi32>,
      %swap3A_211 = vector.shape_cast %swap3A_210 : vector<16xi32> to vector<16xi32>
      %swap3A_212 = vector.shape_cast %add3A_205 : vector<16xi32> to vector<16xi32>
      tpu.vector_store %arg11[%swap3A], %swap3A_212 {strides = array<i32>} : memref<9984xi32, #tpu.memory_space<vmem>>, vector<16xi32>,
    }
    %scan3A_46 = arith.constant 78 : i32
    %add3A_47 = arith.constant 2496 : i32
    %add3A_48 = arith.addi %mul3A_2, %add3A_47 : i32
    %dma_start3A_49 = tpu.memref_slice %arg2[%add3A_48] : memref<320000xi32, #tpu.memory_space<hbm>> -> memref<1248xi32, #tpu.memory_space<hbm>>
    %dma_start3A_50 = tpu.memref_slice %arg2[%add3A_48] : memref<320000xi32, #tpu.memory_space<hbm>> -> memref<1248xi32, #tpu.memory_space<hbm>>
    tpu.enqueue_dma source(%dma_start3A_50 : memref<1248xi32, #tpu.memory_space<hbm>>) target(%arg9 : memref<1248xi32, #tpu.memory_space<vmem>>) target_semaphore(%arg17 : memref<!tpu.dma_semaphore, #tpu.memory_space<semaphore_mem>>)
    %add3A_51 = arith.constant 2496 : i32
    %add3A_52 = arith.addi %mul3A_2, %add3A_51 : i32
    %dma_start3A_53 = tpu.memref_slice %arg3[%add3A_52] : memref<320000xi32, #tpu.memory_space<hbm>> -> memref<1248xi32, #tpu.memory_space<hbm>>
    %dma_start3A_54 = tpu.memref_slice %arg3[%add3A_52] : memref<320000xi32, #tpu.memory_space<hbm>> -> memref<1248xi32, #tpu.memory_space<hbm>>
    tpu.enqueue_dma source(%dma_start3A_54 : memref<1248xi32, #tpu.memory_space<hbm>>) target(%arg10 : memref<1248xi32, #tpu.memory_space<vmem>>) target_semaphore(%arg17 : memref<!tpu.dma_semaphore, #tpu.memory_space<semaphore_mem>>)
    %dma_wait3A_55 = tpu.memref_slice %arg2[%add3A_48] : memref<320000xi32, #tpu.memory_space<hbm>> -> memref<1248xi32, #tpu.memory_space<hbm>>
    %dma_wait3A_56 = tpu.memref_slice %arg2[%add3A_48] : memref<320000xi32, #tpu.memory_space<hbm>> -> memref<1248xi32, #tpu.memory_space<hbm>>
    tpu.wait_dma2 semaphore(%arg17 : memref<!tpu.dma_semaphore, #tpu.memory_space<semaphore_mem>>) src(%dma_wait3A_56 : memref<1248xi32, #tpu.memory_space<hbm>>) dst(%arg9 : memref<1248xi32, #tpu.memory_space<vmem>>)
    %dma_wait3A_57 = tpu.memref_slice %arg3[%add3A_52] : memref<320000xi32, #tpu.memory_space<hbm>> -> memref<1248xi32, #tpu.memory_space<hbm>>
    %dma_wait3A_58 = tpu.memref_slice %arg3[%add3A_52] : memref<320000xi32, #tpu.memory_space<hbm>> -> memref<1248xi32, #tpu.memory_space<hbm>>
    tpu.wait_dma2 semaphore(%arg17 : memref<!tpu.dma_semaphore, #tpu.memory_space<semaphore_mem>>) src(%dma_wait3A_58 : memref<1248xi32, #tpu.memory_space<hbm>>) dst(%arg10 : memref<1248xi32, #tpu.memory_space<vmem>>)
    %scan3A_59 = arith.constant 0 : i32
    %scan3A_60 = arith.constant 0 : i32
    %scan3A_61 = arith.constant 78 : i32
    %scan3A_62 = arith.addi %scan3A_60, %scan3A_61 : i32
    %scan3A_63 = arith.constant 1 : i32
    scf.for %scan3A_194 = %scan3A_60 to %scan3A_62 step %scan3A_63  : i32 {
      %mul3A_195 = arith.constant 16 : i32
      %mul3A_196 = arith.muli %scan3A_194, %mul3A_195 : i32
      %get3A = arith.index_cast %mul3A_196 : i32 to index
      %get3A_197 = tpu.vector_load %arg9[%get3A] {strides = array<i32>} : memref<1248xi32, #tpu.memory_space<vmem>>, vector<16xi32>,
      %get3A_198 = vector.shape_cast %get3A_197 : vector<16xi32> to vector<16xi32>
      %mul3A_199 = arith.constant 4 : i32
      %mul3A_200 = vector.broadcast %mul3A_199 : i32 to vector<16xi32>
      %mul3A_201 = arith.muli %get3A_198, %mul3A_200 : vector<16xi32>
      %get3A_202 = arith.index_cast %mul3A_196 : i32 to index
      %get3A_203 = tpu.vector_load %arg10[%get3A_202] {strides = array<i32>} : memref<1248xi32, #tpu.memory_space<vmem>>, vector<16xi32>,
      %get3A_204 = vector.shape_cast %get3A_203 : vector<16xi32> to vector<16xi32>
      %add3A_205 = arith.addi %mul3A_201, %get3A_204 : vector<16xi32>
      %mul3A_206 = arith.constant 16 : i32
      %mul3A_207 = arith.muli %scan3A_194, %mul3A_206 : i32
      %add3A_208 = arith.constant 2496 : i32
      %add3A_209 = arith.addi %add3A_208, %mul3A_207 : i32
      %swap3A = arith.index_cast %add3A_209 : i32 to index
      %swap3A_210 = tpu.vector_load %arg11[%swap3A] {strides = array<i32>} : memref<9984xi32, #tpu.memory_space<vmem>>, vector<16xi32>,
      %swap3A_211 = vector.shape_cast %swap3A_210 : vector<16xi32> to vector<16xi32>
      %swap3A_212 = vector.shape_cast %add3A_205 : vector<16xi32> to vector<16xi32>
      tpu.vector_store %arg11[%swap3A], %swap3A_212 {strides = array<i32>} : memref<9984xi32, #tpu.memory_space<vmem>>, vector<16xi32>,
    }
    %scan3A_64 = arith.constant 78 : i32
    %add3A_65 = arith.constant 3744 : i32
    %add3A_66 = arith.addi %mul3A_2, %add3A_65 : i32
    %dma_start3A_67 = tpu.memref_slice %arg2[%add3A_66] : memref<320000xi32, #tpu.memory_space<hbm>> -> memref<1248xi32, #tpu.memory_space<hbm>>
    %dma_start3A_68 = tpu.memref_slice %arg2[%add3A_66] : memref<320000xi32, #tpu.memory_space<hbm>> -> memref<1248xi32, #tpu.memory_space<hbm>>
    tpu.enqueue_dma source(%dma_start3A_68 : memref<1248xi32, #tpu.memory_space<hbm>>) target(%arg9 : memref<1248xi32, #tpu.memory_space<vmem>>) target_semaphore(%arg17 : memref<!tpu.dma_semaphore, #tpu.memory_space<semaphore_mem>>)
    %add3A_69 = arith.constant 3744 : i32
    %add3A_70 = arith.addi %mul3A_2, %add3A_69 : i32
    %dma_start3A_71 = tpu.memref_slice %arg3[%add3A_70] : memref<320000xi32, #tpu.memory_space<hbm>> -> memref<1248xi32, #tpu.memory_space<hbm>>
    %dma_start3A_72 = tpu.memref_slice %arg3[%add3A_70] : memref<320000xi32, #tpu.memory_space<hbm>> -> memref<1248xi32, #tpu.memory_space<hbm>>
    tpu.enqueue_dma source(%dma_start3A_72 : memref<1248xi32, #tpu.memory_space<hbm>>) target(%arg10 : memref<1248xi32, #tpu.memory_space<vmem>>) target_semaphore(%arg17 : memref<!tpu.dma_semaphore, #tpu.memory_space<semaphore_mem>>)
    %dma_wait3A_73 = tpu.memref_slice %arg2[%add3A_66] : memref<320000xi32, #tpu.memory_space<hbm>> -> memref<1248xi32, #tpu.memory_space<hbm>>
    %dma_wait3A_74 = tpu.memref_slice %arg2[%add3A_66] : memref<320000xi32, #tpu.memory_space<hbm>> -> memref<1248xi32, #tpu.memory_space<hbm>>
    tpu.wait_dma2 semaphore(%arg17 : memref<!tpu.dma_semaphore, #tpu.memory_space<semaphore_mem>>) src(%dma_wait3A_74 : memref<1248xi32, #tpu.memory_space<hbm>>) dst(%arg9 : memref<1248xi32, #tpu.memory_space<vmem>>)
    %dma_wait3A_75 = tpu.memref_slice %arg3[%add3A_70] : memref<320000xi32, #tpu.memory_space<hbm>> -> memref<1248xi32, #tpu.memory_space<hbm>>
    %dma_wait3A_76 = tpu.memref_slice %arg3[%add3A_70] : memref<320000xi32, #tpu.memory_space<hbm>> -> memref<1248xi32, #tpu.memory_space<hbm>>
    tpu.wait_dma2 semaphore(%arg17 : memref<!tpu.dma_semaphore, #tpu.memory_space<semaphore_mem>>) src(%dma_wait3A_76 : memref<1248xi32, #tpu.memory_space<hbm>>) dst(%arg10 : memref<1248xi32, #tpu.memory_space<vmem>>)
    %scan3A_77 = arith.constant 0 : i32
    %scan3A_78 = arith.constant 0 : i32
    %scan3A_79 = arith.constant 78 : i32
    %scan3A_80 = arith.addi %scan3A_78, %scan3A_79 : i32
    %scan3A_81 = arith.constant 1 : i32
    scf.for %scan3A_194 = %scan3A_78 to %scan3A_80 step %scan3A_81  : i32 {
      %mul3A_195 = arith.constant 16 : i32
      %mul3A_196 = arith.muli %scan3A_194, %mul3A_195 : i32
      %get3A = arith.index_cast %mul3A_196 : i32 to index
      %get3A_197 = tpu.vector_load %arg9[%get3A] {strides = array<i32>} : memref<1248xi32, #tpu.memory_space<vmem>>, vector<16xi32>,
      %get3A_198 = vector.shape_cast %get3A_197 : vector<16xi32> to vector<16xi32>
      %mul3A_199 = arith.constant 4 : i32
      %mul3A_200 = vector.broadcast %mul3A_199 : i32 to vector<16xi32>
      %mul3A_201 = arith.muli %get3A_198, %mul3A_200 : vector<16xi32>
      %get3A_202 = arith.index_cast %mul3A_196 : i32 to index
      %get3A_203 = tpu.vector_load %arg10[%get3A_202] {strides = array<i32>} : memref<1248xi32, #tpu.memory_space<vmem>>, vector<16xi32>,
      %get3A_204 = vector.shape_cast %get3A_203 : vector<16xi32> to vector<16xi32>
      %add3A_205 = arith.addi %mul3A_201, %get3A_204 : vector<16xi32>
      %mul3A_206 = arith.constant 16 : i32
      %mul3A_207 = arith.muli %scan3A_194, %mul3A_206 : i32
      %add3A_208 = arith.constant 3744 : i32
      %add3A_209 = arith.addi %add3A_208, %mul3A_207 : i32
      %swap3A = arith.index_cast %add3A_209 : i32 to index
      %swap3A_210 = tpu.vector_load %arg11[%swap3A] {strides = array<i32>} : memref<9984xi32, #tpu.memory_space<vmem>>, vector<16xi32>,
      %swap3A_211 = vector.shape_cast %swap3A_210 : vector<16xi32> to vector<16xi32>
      %swap3A_212 = vector.shape_cast %add3A_205 : vector<16xi32> to vector<16xi32>
      tpu.vector_store %arg11[%swap3A], %swap3A_212 {strides = array<i32>} : memref<9984xi32, #tpu.memory_space<vmem>>, vector<16xi32>,
    }
    %scan3A_82 = arith.constant 78 : i32
    %add3A_83 = arith.constant 4992 : i32
    %add3A_84 = arith.addi %mul3A_2, %add3A_83 : i32
    %dma_start3A_85 = tpu.memref_slice %arg2[%add3A_84] : memref<320000xi32, #tpu.memory_space<hbm>> -> memref<1248xi32, #tpu.memory_space<hbm>>
    %dma_start3A_86 = tpu.memref_slice %arg2[%add3A_84] : memref<320000xi32, #tpu.memory_space<hbm>> -> memref<1248xi32, #tpu.memory_space<hbm>>
    tpu.enqueue_dma source(%dma_start3A_86 : memref<1248xi32, #tpu.memory_space<hbm>>) target(%arg9 : memref<1248xi32, #tpu.memory_space<vmem>>) target_semaphore(%arg17 : memref<!tpu.dma_semaphore, #tpu.memory_space<semaphore_mem>>)
    %add3A_87 = arith.constant 4992 : i32
    %add3A_88 = arith.addi %mul3A_2, %add3A_87 : i32
    %dma_start3A_89 = tpu.memref_slice %arg3[%add3A_88] : memref<320000xi32, #tpu.memory_space<hbm>> -> memref<1248xi32, #tpu.memory_space<hbm>>
    %dma_start3A_90 = tpu.memref_slice %arg3[%add3A_88] : memref<320000xi32, #tpu.memory_space<hbm>> -> memref<1248xi32, #tpu.memory_space<hbm>>
    tpu.enqueue_dma source(%dma_start3A_90 : memref<1248xi32, #tpu.memory_space<hbm>>) target(%arg10 : memref<1248xi32, #tpu.memory_space<vmem>>) target_semaphore(%arg17 : memref<!tpu.dma_semaphore, #tpu.memory_space<semaphore_mem>>)
    %dma_wait3A_91 = tpu.memref_slice %arg2[%add3A_84] : memref<320000xi32, #tpu.memory_space<hbm>> -> memref<1248xi32, #tpu.memory_space<hbm>>
    %dma_wait3A_92 = tpu.memref_slice %arg2[%add3A_84] : memref<320000xi32, #tpu.memory_space<hbm>> -> memref<1248xi32, #tpu.memory_space<hbm>>
    tpu.wait_dma2 semaphore(%arg17 : memref<!tpu.dma_semaphore, #tpu.memory_space<semaphore_mem>>) src(%dma_wait3A_92 : memref<1248xi32, #tpu.memory_space<hbm>>) dst(%arg9 : memref<1248xi32, #tpu.memory_space<vmem>>)
    %dma_wait3A_93 = tpu.memref_slice %arg3[%add3A_88] : memref<320000xi32, #tpu.memory_space<hbm>> -> memref<1248xi32, #tpu.memory_space<hbm>>
    %dma_wait3A_94 = tpu.memref_slice %arg3[%add3A_88] : memref<320000xi32, #tpu.memory_space<hbm>> -> memref<1248xi32, #tpu.memory_space<hbm>>
    tpu.wait_dma2 semaphore(%arg17 : memref<!tpu.dma_semaphore, #tpu.memory_space<semaphore_mem>>) src(%dma_wait3A_94 : memref<1248xi32, #tpu.memory_space<hbm>>) dst(%arg10 : memref<1248xi32, #tpu.memory_space<vmem>>)
    %scan3A_95 = arith.constant 0 : i32
    %scan3A_96 = arith.constant 0 : i32
    %scan3A_97 = arith.constant 78 : i32
    %scan3A_98 = arith.addi %scan3A_96, %scan3A_97 : i32
    %scan3A_99 = arith.constant 1 : i32
    scf.for %scan3A_194 = %scan3A_96 to %scan3A_98 step %scan3A_99  : i32 {
      %mul3A_195 = arith.constant 16 : i32
      %mul3A_196 = arith.muli %scan3A_194, %mul3A_195 : i32
      %get3A = arith.index_cast %mul3A_196 : i32 to index
      %get3A_197 = tpu.vector_load %arg9[%get3A] {strides = array<i32>} : memref<1248xi32, #tpu.memory_space<vmem>>, vector<16xi32>,
      %get3A_198 = vector.shape_cast %get3A_197 : vector<16xi32> to vector<16xi32>
      %mul3A_199 = arith.constant 4 : i32
      %mul3A_200 = vector.broadcast %mul3A_199 : i32 to vector<16xi32>
      %mul3A_201 = arith.muli %get3A_198, %mul3A_200 : vector<16xi32>
      %get3A_202 = arith.index_cast %mul3A_196 : i32 to index
      %get3A_203 = tpu.vector_load %arg10[%get3A_202] {strides = array<i32>} : memref<1248xi32, #tpu.memory_space<vmem>>, vector<16xi32>,
      %get3A_204 = vector.shape_cast %get3A_203 : vector<16xi32> to vector<16xi32>
      %add3A_205 = arith.addi %mul3A_201, %get3A_204 : vector<16xi32>
      %mul3A_206 = arith.constant 16 : i32
      %mul3A_207 = arith.muli %scan3A_194, %mul3A_206 : i32
      %add3A_208 = arith.constant 4992 : i32
      %add3A_209 = arith.addi %add3A_208, %mul3A_207 : i32
      %swap3A = arith.index_cast %add3A_209 : i32 to index
      %swap3A_210 = tpu.vector_load %arg11[%swap3A] {strides = array<i32>} : memref<9984xi32, #tpu.memory_space<vmem>>, vector<16xi32>,
      %swap3A_211 = vector.shape_cast %swap3A_210 : vector<16xi32> to vector<16xi32>
      %swap3A_212 = vector.shape_cast %add3A_205 : vector<16xi32> to vector<16xi32>
      tpu.vector_store %arg11[%swap3A], %swap3A_212 {strides = array<i32>} : memref<9984xi32, #tpu.memory_space<vmem>>, vector<16xi32>,
    }
    %scan3A_100 = arith.constant 78 : i32
    %add3A_101 = arith.constant 6240 : i32
    %add3A_102 = arith.addi %mul3A_2, %add3A_101 : i32
    %dma_start3A_103 = tpu.memref_slice %arg2[%add3A_102] : memref<320000xi32, #tpu.memory_space<hbm>> -> memref<1248xi32, #tpu.memory_space<hbm>>
    %dma_start3A_104 = tpu.memref_slice %arg2[%add3A_102] : memref<320000xi32, #tpu.memory_space<hbm>> -> memref<1248xi32, #tpu.memory_space<hbm>>
    tpu.enqueue_dma source(%dma_start3A_104 : memref<1248xi32, #tpu.memory_space<hbm>>) target(%arg9 : memref<1248xi32, #tpu.memory_space<vmem>>) target_semaphore(%arg17 : memref<!tpu.dma_semaphore, #tpu.memory_space<semaphore_mem>>)
    %add3A_105 = arith.constant 6240 : i32
    %add3A_106 = arith.addi %mul3A_2, %add3A_105 : i32
    %dma_start3A_107 = tpu.memref_slice %arg3[%add3A_106] : memref<320000xi32, #tpu.memory_space<hbm>> -> memref<1248xi32, #tpu.memory_space<hbm>>
    %dma_start3A_108 = tpu.memref_slice %arg3[%add3A_106] : memref<320000xi32, #tpu.memory_space<hbm>> -> memref<1248xi32, #tpu.memory_space<hbm>>
    tpu.enqueue_dma source(%dma_start3A_108 : memref<1248xi32, #tpu.memory_space<hbm>>) target(%arg10 : memref<1248xi32, #tpu.memory_space<vmem>>) target_semaphore(%arg17 : memref<!tpu.dma_semaphore, #tpu.memory_space<semaphore_mem>>)
    %dma_wait3A_109 = tpu.memref_slice %arg2[%add3A_102] : memref<320000xi32, #tpu.memory_space<hbm>> -> memref<1248xi32, #tpu.memory_space<hbm>>
    %dma_wait3A_110 = tpu.memref_slice %arg2[%add3A_102] : memref<320000xi32, #tpu.memory_space<hbm>> -> memref<1248xi32, #tpu.memory_space<hbm>>
    tpu.wait_dma2 semaphore(%arg17 : memref<!tpu.dma_semaphore, #tpu.memory_space<semaphore_mem>>) src(%dma_wait3A_110 : memref<1248xi32, #tpu.memory_space<hbm>>) dst(%arg9 : memref<1248xi32, #tpu.memory_space<vmem>>)
    %dma_wait3A_111 = tpu.memref_slice %arg3[%add3A_106] : memref<320000xi32, #tpu.memory_space<hbm>> -> memref<1248xi32, #tpu.memory_space<hbm>>
    %dma_wait3A_112 = tpu.memref_slice %arg3[%add3A_106] : memref<320000xi32, #tpu.memory_space<hbm>> -> memref<1248xi32, #tpu.memory_space<hbm>>
    tpu.wait_dma2 semaphore(%arg17 : memref<!tpu.dma_semaphore, #tpu.memory_space<semaphore_mem>>) src(%dma_wait3A_112 : memref<1248xi32, #tpu.memory_space<hbm>>) dst(%arg10 : memref<1248xi32, #tpu.memory_space<vmem>>)
    %scan3A_113 = arith.constant 0 : i32
    %scan3A_114 = arith.constant 0 : i32
    %scan3A_115 = arith.constant 78 : i32
    %scan3A_116 = arith.addi %scan3A_114, %scan3A_115 : i32
    %scan3A_117 = arith.constant 1 : i32
    scf.for %scan3A_194 = %scan3A_114 to %scan3A_116 step %scan3A_117  : i32 {
      %mul3A_195 = arith.constant 16 : i32
      %mul3A_196 = arith.muli %scan3A_194, %mul3A_195 : i32
      %get3A = arith.index_cast %mul3A_196 : i32 to index
      %get3A_197 = tpu.vector_load %arg9[%get3A] {strides = array<i32>} : memref<1248xi32, #tpu.memory_space<vmem>>, vector<16xi32>,
      %get3A_198 = vector.shape_cast %get3A_197 : vector<16xi32> to vector<16xi32>
      %mul3A_199 = arith.constant 4 : i32
      %mul3A_200 = vector.broadcast %mul3A_199 : i32 to vector<16xi32>
      %mul3A_201 = arith.muli %get3A_198, %mul3A_200 : vector<16xi32>
      %get3A_202 = arith.index_cast %mul3A_196 : i32 to index
      %get3A_203 = tpu.vector_load %arg10[%get3A_202] {strides = array<i32>} : memref<1248xi32, #tpu.memory_space<vmem>>, vector<16xi32>,
      %get3A_204 = vector.shape_cast %get3A_203 : vector<16xi32> to vector<16xi32>
      %add3A_205 = arith.addi %mul3A_201, %get3A_204 : vector<16xi32>
      %mul3A_206 = arith.constant 16 : i32
      %mul3A_207 = arith.muli %scan3A_194, %mul3A_206 : i32
      %add3A_208 = arith.constant 6240 : i32
      %add3A_209 = arith.addi %add3A_208, %mul3A_207 : i32
      %swap3A = arith.index_cast %add3A_209 : i32 to index
      %swap3A_210 = tpu.vector_load %arg11[%swap3A] {strides = array<i32>} : memref<9984xi32, #tpu.memory_space<vmem>>, vector<16xi32>,
      %swap3A_211 = vector.shape_cast %swap3A_210 : vector<16xi32> to vector<16xi32>
      %swap3A_212 = vector.shape_cast %add3A_205 : vector<16xi32> to vector<16xi32>
      tpu.vector_store %arg11[%swap3A], %swap3A_212 {strides = array<i32>} : memref<9984xi32, #tpu.memory_space<vmem>>, vector<16xi32>,
    }
    %scan3A_118 = arith.constant 78 : i32
    %add3A_119 = arith.constant 7488 : i32
    %add3A_120 = arith.addi %mul3A_2, %add3A_119 : i32
    %dma_start3A_121 = tpu.memref_slice %arg2[%add3A_120] : memref<320000xi32, #tpu.memory_space<hbm>> -> memref<1248xi32, #tpu.memory_space<hbm>>
    %dma_start3A_122 = tpu.memref_slice %arg2[%add3A_120] : memref<320000xi32, #tpu.memory_space<hbm>> -> memref<1248xi32, #tpu.memory_space<hbm>>
    tpu.enqueue_dma source(%dma_start3A_122 : memref<1248xi32, #tpu.memory_space<hbm>>) target(%arg9 : memref<1248xi32, #tpu.memory_space<vmem>>) target_semaphore(%arg17 : memref<!tpu.dma_semaphore, #tpu.memory_space<semaphore_mem>>)
    %add3A_123 = arith.constant 7488 : i32
    %add3A_124 = arith.addi %mul3A_2, %add3A_123 : i32
    %dma_start3A_125 = tpu.memref_slice %arg3[%add3A_124] : memref<320000xi32, #tpu.memory_space<hbm>> -> memref<1248xi32, #tpu.memory_space<hbm>>
    %dma_start3A_126 = tpu.memref_slice %arg3[%add3A_124] : memref<320000xi32, #tpu.memory_space<hbm>> -> memref<1248xi32, #tpu.memory_space<hbm>>
    tpu.enqueue_dma source(%dma_start3A_126 : memref<1248xi32, #tpu.memory_space<hbm>>) target(%arg10 : memref<1248xi32, #tpu.memory_space<vmem>>) target_semaphore(%arg17 : memref<!tpu.dma_semaphore, #tpu.memory_space<semaphore_mem>>)
    %dma_wait3A_127 = tpu.memref_slice %arg2[%add3A_120] : memref<320000xi32, #tpu.memory_space<hbm>> -> memref<1248xi32, #tpu.memory_space<hbm>>
    %dma_wait3A_128 = tpu.memref_slice %arg2[%add3A_120] : memref<320000xi32, #tpu.memory_space<hbm>> -> memref<1248xi32, #tpu.memory_space<hbm>>
    tpu.wait_dma2 semaphore(%arg17 : memref<!tpu.dma_semaphore, #tpu.memory_space<semaphore_mem>>) src(%dma_wait3A_128 : memref<1248xi32, #tpu.memory_space<hbm>>) dst(%arg9 : memref<1248xi32, #tpu.memory_space<vmem>>)
    %dma_wait3A_129 = tpu.memref_slice %arg3[%add3A_124] : memref<320000xi32, #tpu.memory_space<hbm>> -> memref<1248xi32, #tpu.memory_space<hbm>>
    %dma_wait3A_130 = tpu.memref_slice %arg3[%add3A_124] : memref<320000xi32, #tpu.memory_space<hbm>> -> memref<1248xi32, #tpu.memory_space<hbm>>
    tpu.wait_dma2 semaphore(%arg17 : memref<!tpu.dma_semaphore, #tpu.memory_space<semaphore_mem>>) src(%dma_wait3A_130 : memref<1248xi32, #tpu.memory_space<hbm>>) dst(%arg10 : memref<1248xi32, #tpu.memory_space<vmem>>)
    %scan3A_131 = arith.constant 0 : i32
    %scan3A_132 = arith.constant 0 : i32
    %scan3A_133 = arith.constant 78 : i32
    %scan3A_134 = arith.addi %scan3A_132, %scan3A_133 : i32
    %scan3A_135 = arith.constant 1 : i32
    scf.for %scan3A_194 = %scan3A_132 to %scan3A_134 step %scan3A_135  : i32 {
      %mul3A_195 = arith.constant 16 : i32
      %mul3A_196 = arith.muli %scan3A_194, %mul3A_195 : i32
      %get3A = arith.index_cast %mul3A_196 : i32 to index
      %get3A_197 = tpu.vector_load %arg9[%get3A] {strides = array<i32>} : memref<1248xi32, #tpu.memory_space<vmem>>, vector<16xi32>,
      %get3A_198 = vector.shape_cast %get3A_197 : vector<16xi32> to vector<16xi32>
      %mul3A_199 = arith.constant 4 : i32
      %mul3A_200 = vector.broadcast %mul3A_199 : i32 to vector<16xi32>
      %mul3A_201 = arith.muli %get3A_198, %mul3A_200 : vector<16xi32>
      %get3A_202 = arith.index_cast %mul3A_196 : i32 to index
      %get3A_203 = tpu.vector_load %arg10[%get3A_202] {strides = array<i32>} : memref<1248xi32, #tpu.memory_space<vmem>>, vector<16xi32>,
      %get3A_204 = vector.shape_cast %get3A_203 : vector<16xi32> to vector<16xi32>
      %add3A_205 = arith.addi %mul3A_201, %get3A_204 : vector<16xi32>
      %mul3A_206 = arith.constant 16 : i32
      %mul3A_207 = arith.muli %scan3A_194, %mul3A_206 : i32
      %add3A_208 = arith.constant 7488 : i32
      %add3A_209 = arith.addi %add3A_208, %mul3A_207 : i32
      %swap3A = arith.index_cast %add3A_209 : i32 to index
      %swap3A_210 = tpu.vector_load %arg11[%swap3A] {strides = array<i32>} : memref<9984xi32, #tpu.memory_space<vmem>>, vector<16xi32>,
      %swap3A_211 = vector.shape_cast %swap3A_210 : vector<16xi32> to vector<16xi32>
      %swap3A_212 = vector.shape_cast %add3A_205 : vector<16xi32> to vector<16xi32>
      tpu.vector_store %arg11[%swap3A], %swap3A_212 {strides = array<i32>} : memref<9984xi32, #tpu.memory_space<vmem>>, vector<16xi32>,
    }
    %scan3A_136 = arith.constant 78 : i32
    %add3A_137 = arith.constant 8736 : i32
    %add3A_138 = arith.addi %mul3A_2, %add3A_137 : i32
    %dma_start3A_139 = tpu.memref_slice %arg2[%add3A_138] : memref<320000xi32, #tpu.memory_space<hbm>> -> memref<1248xi32, #tpu.memory_space<hbm>>
    %dma_start3A_140 = tpu.memref_slice %arg2[%add3A_138] : memref<320000xi32, #tpu.memory_space<hbm>> -> memref<1248xi32, #tpu.memory_space<hbm>>
    tpu.enqueue_dma source(%dma_start3A_140 : memref<1248xi32, #tpu.memory_space<hbm>>) target(%arg9 : memref<1248xi32, #tpu.memory_space<vmem>>) target_semaphore(%arg17 : memref<!tpu.dma_semaphore, #tpu.memory_space<semaphore_mem>>)
    %add3A_141 = arith.constant 8736 : i32
    %add3A_142 = arith.addi %mul3A_2, %add3A_141 : i32
    %dma_start3A_143 = tpu.memref_slice %arg3[%add3A_142] : memref<320000xi32, #tpu.memory_space<hbm>> -> memref<1248xi32, #tpu.memory_space<hbm>>
    %dma_start3A_144 = tpu.memref_slice %arg3[%add3A_142] : memref<320000xi32, #tpu.memory_space<hbm>> -> memref<1248xi32, #tpu.memory_space<hbm>>
    tpu.enqueue_dma source(%dma_start3A_144 : memref<1248xi32, #tpu.memory_space<hbm>>) target(%arg10 : memref<1248xi32, #tpu.memory_space<vmem>>) target_semaphore(%arg17 : memref<!tpu.dma_semaphore, #tpu.memory_space<semaphore_mem>>)
    %dma_wait3A_145 = tpu.memref_slice %arg2[%add3A_138] : memref<320000xi32, #tpu.memory_space<hbm>> -> memref<1248xi32, #tpu.memory_space<hbm>>
    %dma_wait3A_146 = tpu.memref_slice %arg2[%add3A_138] : memref<320000xi32, #tpu.memory_space<hbm>> -> memref<1248xi32, #tpu.memory_space<hbm>>
    tpu.wait_dma2 semaphore(%arg17 : memref<!tpu.dma_semaphore, #tpu.memory_space<semaphore_mem>>) src(%dma_wait3A_146 : memref<1248xi32, #tpu.memory_space<hbm>>) dst(%arg9 : memref<1248xi32, #tpu.memory_space<vmem>>)
    %dma_wait3A_147 = tpu.memref_slice %arg3[%add3A_142] : memref<320000xi32, #tpu.memory_space<hbm>> -> memref<1248xi32, #tpu.memory_space<hbm>>
    %dma_wait3A_148 = tpu.memref_slice %arg3[%add3A_142] : memref<320000xi32, #tpu.memory_space<hbm>> -> memref<1248xi32, #tpu.memory_space<hbm>>
    tpu.wait_dma2 semaphore(%arg17 : memref<!tpu.dma_semaphore, #tpu.memory_space<semaphore_mem>>) src(%dma_wait3A_148 : memref<1248xi32, #tpu.memory_space<hbm>>) dst(%arg10 : memref<1248xi32, #tpu.memory_space<vmem>>)
    %scan3A_149 = arith.constant 0 : i32
    %scan3A_150 = arith.constant 0 : i32
    %scan3A_151 = arith.constant 78 : i32
    %scan3A_152 = arith.addi %scan3A_150, %scan3A_151 : i32
    %scan3A_153 = arith.constant 1 : i32
    scf.for %scan3A_194 = %scan3A_150 to %scan3A_152 step %scan3A_153  : i32 {
      %mul3A_195 = arith.constant 16 : i32
      %mul3A_196 = arith.muli %scan3A_194, %mul3A_195 : i32
      %get3A = arith.index_cast %mul3A_196 : i32 to index
      %get3A_197 = tpu.vector_load %arg9[%get3A] {strides = array<i32>} : memref<1248xi32, #tpu.memory_space<vmem>>, vector<16xi32>,
      %get3A_198 = vector.shape_cast %get3A_197 : vector<16xi32> to vector<16xi32>
      %mul3A_199 = arith.constant 4 : i32
      %mul3A_200 = vector.broadcast %mul3A_199 : i32 to vector<16xi32>
      %mul3A_201 = arith.muli %get3A_198, %mul3A_200 : vector<16xi32>
      %get3A_202 = arith.index_cast %mul3A_196 : i32 to index
      %get3A_203 = tpu.vector_load %arg10[%get3A_202] {strides = array<i32>} : memref<1248xi32, #tpu.memory_space<vmem>>, vector<16xi32>,
      %get3A_204 = vector.shape_cast %get3A_203 : vector<16xi32> to vector<16xi32>
      %add3A_205 = arith.addi %mul3A_201, %get3A_204 : vector<16xi32>
      %mul3A_206 = arith.constant 16 : i32
      %mul3A_207 = arith.muli %scan3A_194, %mul3A_206 : i32
      %add3A_208 = arith.constant 8736 : i32
      %add3A_209 = arith.addi %add3A_208, %mul3A_207 : i32
      %swap3A = arith.index_cast %add3A_209 : i32 to index
      %swap3A_210 = tpu.vector_load %arg11[%swap3A] {strides = array<i32>} : memref<9984xi32, #tpu.memory_space<vmem>>, vector<16xi32>,
      %swap3A_211 = vector.shape_cast %swap3A_210 : vector<16xi32> to vector<16xi32>
      %swap3A_212 = vector.shape_cast %add3A_205 : vector<16xi32> to vector<16xi32>
      tpu.vector_store %arg11[%swap3A], %swap3A_212 {strides = array<i32>} : memref<9984xi32, #tpu.memory_space<vmem>>, vector<16xi32>,
    }
    %scan3A_154 = arith.constant 78 : i32
    %barrier3A = arith.constant 0 : index
    tpu.barrier barrier_id(%barrier3A)
    %eq3A_155 = arith.constant 31 : i32
    %eq3A_156 = arith.cmpi eq, %add3A, %eq3A_155 : i32
    %convert_element_type3A_157 = arith.extui %eq3A_156 : i1 to i32
    %cond3A_158 = arith.constant 0 : i32
    %cond3A_159 = arith.cmpi ne, %convert_element_type3A_157, %cond3A_158 : i32
    scf.if %cond3A_159 {
      %dma_start3A_194 = arith.constant 0 : i32
      %dma_start3A_195 = tpu.memref_slice %arg9[%dma_start3A_194] : memref<1248xi32, #tpu.memory_space<vmem>> -> memref<512xi32, #tpu.memory_space<vmem>>
      %dma_start3A_196 = arith.constant 319488 : i32
      %dma_start3A_197 = tpu.memref_slice %arg2[%dma_start3A_196] : memref<320000xi32, #tpu.memory_space<hbm>> -> memref<512xi32, #tpu.memory_space<hbm>>
      %dma_start3A_198 = arith.constant 0 : i32
      %dma_start3A_199 = tpu.memref_slice %arg9[%dma_start3A_198] : memref<1248xi32, #tpu.memory_space<vmem>> -> memref<512xi32, #tpu.memory_space<vmem>>
      %dma_start3A_200 = arith.constant 319488 : i32
      %dma_start3A_201 = tpu.memref_slice %arg2[%dma_start3A_200] : memref<320000xi32, #tpu.memory_space<hbm>> -> memref<512xi32, #tpu.memory_space<hbm>>
      tpu.enqueue_dma source(%dma_start3A_201 : memref<512xi32, #tpu.memory_space<hbm>>) target(%dma_start3A_199 : memref<512xi32, #tpu.memory_space<vmem>>) target_semaphore(%arg17 : memref<!tpu.dma_semaphore, #tpu.memory_space<semaphore_mem>>)
      %dma_start3A_202 = arith.constant 0 : i32
      %dma_start3A_203 = tpu.memref_slice %arg10[%dma_start3A_202] : memref<1248xi32, #tpu.memory_space<vmem>> -> memref<512xi32, #tpu.memory_space<vmem>>
      %dma_start3A_204 = arith.constant 319488 : i32
      %dma_start3A_205 = tpu.memref_slice %arg3[%dma_start3A_204] : memref<320000xi32, #tpu.memory_space<hbm>> -> memref<512xi32, #tpu.memory_space<hbm>>
      %dma_start3A_206 = arith.constant 0 : i32
      %dma_start3A_207 = tpu.memref_slice %arg10[%dma_start3A_206] : memref<1248xi32, #tpu.memory_space<vmem>> -> memref<512xi32, #tpu.memory_space<vmem>>
      %dma_start3A_208 = arith.constant 319488 : i32
      %dma_start3A_209 = tpu.memref_slice %arg3[%dma_start3A_208] : memref<320000xi32, #tpu.memory_space<hbm>> -> memref<512xi32, #tpu.memory_space<hbm>>
      tpu.enqueue_dma source(%dma_start3A_209 : memref<512xi32, #tpu.memory_space<hbm>>) target(%dma_start3A_207 : memref<512xi32, #tpu.memory_space<vmem>>) target_semaphore(%arg17 : memref<!tpu.dma_semaphore, #tpu.memory_space<semaphore_mem>>)
      %dma_wait3A_210 = arith.constant 0 : i32
      %dma_wait3A_211 = tpu.memref_slice %arg9[%dma_wait3A_210] : memref<1248xi32, #tpu.memory_space<vmem>> -> memref<512xi32, #tpu.memory_space<vmem>>
      %dma_wait3A_212 = arith.constant 319488 : i32
      %dma_wait3A_213 = tpu.memref_slice %arg2[%dma_wait3A_212] : memref<320000xi32, #tpu.memory_space<hbm>> -> memref<512xi32, #tpu.memory_space<hbm>>
      %dma_wait3A_214 = arith.constant 0 : i32
      %dma_wait3A_215 = tpu.memref_slice %arg9[%dma_wait3A_214] : memref<1248xi32, #tpu.memory_space<vmem>> -> memref<512xi32, #tpu.memory_space<vmem>>
      %dma_wait3A_216 = arith.constant 319488 : i32
      %dma_wait3A_217 = tpu.memref_slice %arg2[%dma_wait3A_216] : memref<320000xi32, #tpu.memory_space<hbm>> -> memref<512xi32, #tpu.memory_space<hbm>>
      tpu.wait_dma2 semaphore(%arg17 : memref<!tpu.dma_semaphore, #tpu.memory_space<semaphore_mem>>) src(%dma_wait3A_217 : memref<512xi32, #tpu.memory_space<hbm>>) dst(%dma_wait3A_215 : memref<512xi32, #tpu.memory_space<vmem>>)
      %dma_wait3A_218 = arith.constant 0 : i32
      %dma_wait3A_219 = tpu.memref_slice %arg10[%dma_wait3A_218] : memref<1248xi32, #tpu.memory_space<vmem>> -> memref<512xi32, #tpu.memory_space<vmem>>
      %dma_wait3A_220 = arith.constant 319488 : i32
      %dma_wait3A_221 = tpu.memref_slice %arg3[%dma_wait3A_220] : memref<320000xi32, #tpu.memory_space<hbm>> -> memref<512xi32, #tpu.memory_space<hbm>>
      %dma_wait3A_222 = arith.constant 0 : i32
      %dma_wait3A_223 = tpu.memref_slice %arg10[%dma_wait3A_222] : memref<1248xi32, #tpu.memory_space<vmem>> -> memref<512xi32, #tpu.memory_space<vmem>>
      %dma_wait3A_224 = arith.constant 319488 : i32
      %dma_wait3A_225 = tpu.memref_slice %arg3[%dma_wait3A_224] : memref<320000xi32, #tpu.memory_space<hbm>> -> memref<512xi32, #tpu.memory_space<hbm>>
      tpu.wait_dma2 semaphore(%arg17 : memref<!tpu.dma_semaphore, #tpu.memory_space<semaphore_mem>>) src(%dma_wait3A_225 : memref<512xi32, #tpu.memory_space<hbm>>) dst(%dma_wait3A_223 : memref<512xi32, #tpu.memory_space<vmem>>)
      %scan3A_226 = arith.constant 0 : i32
      %scan3A_227 = arith.constant 0 : i32
      %scan3A_228 = arith.constant 32 : i32
      %scan3A_229 = arith.addi %scan3A_227, %scan3A_228 : i32
      %scan3A_230 = arith.constant 1 : i32
      scf.for %scan3A_273 = %scan3A_227 to %scan3A_229 step %scan3A_230  : i32 {
        %mul3A_274 = arith.constant 16 : i32
        %mul3A_275 = arith.muli %scan3A_273, %mul3A_274 : i32
        %get3A = arith.index_cast %mul3A_275 : i32 to index
        %get3A_276 = tpu.vector_load %arg9[%get3A] {strides = array<i32>} : memref<1248xi32, #tpu.memory_space<vmem>>, vector<16xi32>,
        %get3A_277 = vector.shape_cast %get3A_276 : vector<16xi32> to vector<16xi32>
        %mul3A_278 = arith.constant 4 : i32
        %mul3A_279 = vector.broadcast %mul3A_278 : i32 to vector<16xi32>
        %mul3A_280 = arith.muli %get3A_277, %mul3A_279 : vector<16xi32>
        %get3A_281 = arith.index_cast %mul3A_275 : i32 to index
        %get3A_282 = tpu.vector_load %arg10[%get3A_281] {strides = array<i32>} : memref<1248xi32, #tpu.memory_space<vmem>>, vector<16xi32>,
        %get3A_283 = vector.shape_cast %get3A_282 : vector<16xi32> to vector<16xi32>
        %add3A_284 = arith.addi %mul3A_280, %get3A_283 : vector<16xi32>
        %swap3A = arith.index_cast %mul3A_275 : i32 to index
        %swap3A_285 = tpu.vector_load %arg12[%swap3A] {strides = array<i32>} : memref<512xi32, #tpu.memory_space<vmem>>, vector<16xi32>,
        %swap3A_286 = vector.shape_cast %swap3A_285 : vector<16xi32> to vector<16xi32>
        %swap3A_287 = vector.shape_cast %add3A_284 : vector<16xi32> to vector<16xi32>
        tpu.vector_store %arg12[%swap3A], %swap3A_287 {strides = array<i32>} : memref<512xi32, #tpu.memory_space<vmem>>, vector<16xi32>,
      }
      %scan3A_231 = arith.constant 32 : i32
      %dma_start3A_232 = arith.constant 0 : i32
      %dma_start3A_233 = arith.constant 0 : i32
      %dma_start3A_234 = arith.constant 0 : i32
      %dma_start3A_235 = tpu.memref_slice %arg14[%dma_start3A_232, %dma_start3A_233, %dma_start3A_234] : memref<2x256x128xf32, #tpu.memory_space<vmem>> -> memref<1x256x128xf32, #tpu.memory_space<vmem>>
      %dma_start3A_236 = tpu.memref_squeeze %dma_start3A_235 : memref<1x256x128xf32, #tpu.memory_space<vmem>> -> memref<256x128xf32, #tpu.memory_space<vmem>>
      %dma_start3A_237 = arith.constant 0 : i32
      %dma_start3A_238 = tpu.memref_slice %arg12[%dma_start3A_237] : memref<512xi32, #tpu.memory_space<vmem>> -> memref<256xi32, #tpu.memory_space<vmem>>
      %dma_start3A_239 = arith.constant 0 : i32
      %dma_start3A_240 = arith.constant 0 : i32
      %dma_start3A_241 = tpu.memref_slice %arg16[%dma_start3A_239, %dma_start3A_240] : memref<32x128xf32, #tpu.memory_space<vmem_shared>> -> memref<32x128xf32, #tpu.memory_space<vmem_shared>>
      tpu.enqueue_indirect_dma source(%dma_start3A_241 : memref<32x128xf32, #tpu.memory_space<vmem_shared>>) target(%dma_start3A_236 : memref<256x128xf32, #tpu.memory_space<vmem>>) offsets(%dma_start3A_238 : memref<256xi32, #tpu.memory_space<vmem>>) semaphore(%arg18 : memref<!tpu.dma_semaphore, #tpu.memory_space<semaphore_mem>>)
      %dma_wait3A_242 = arith.constant 0 : i32
      %dma_wait3A_243 = arith.constant 0 : i32
      %dma_wait3A_244 = arith.constant 0 : i32
      %dma_wait3A_245 = tpu.memref_slice %arg14[%dma_wait3A_242, %dma_wait3A_243, %dma_wait3A_244] : memref<2x256x128xf32, #tpu.memory_space<vmem>> -> memref<1x256x128xf32, #tpu.memory_space<vmem>>
      %dma_wait3A_246 = tpu.memref_squeeze %dma_wait3A_245 : memref<1x256x128xf32, #tpu.memory_space<vmem>> -> memref<256x128xf32, #tpu.memory_space<vmem>>
      %dma_wait3A_247 = arith.constant 0 : i32
      %dma_wait3A_248 = tpu.memref_slice %arg12[%dma_wait3A_247] : memref<512xi32, #tpu.memory_space<vmem>> -> memref<256xi32, #tpu.memory_space<vmem>>
      %dma_wait3A_249 = arith.constant 0 : i32
      %dma_wait3A_250 = arith.constant 0 : i32
      %dma_wait3A_251 = tpu.memref_slice %arg16[%dma_wait3A_249, %dma_wait3A_250] : memref<32x128xf32, #tpu.memory_space<vmem_shared>> -> memref<32x128xf32, #tpu.memory_space<vmem_shared>>
      tpu.wait_indirect_dma semaphore(%arg18 : memref<!tpu.dma_semaphore, #tpu.memory_space<semaphore_mem>>) src(%dma_wait3A_251 : memref<32x128xf32, #tpu.memory_space<vmem_shared>>) dst(%dma_wait3A_246 : memref<256x128xf32, #tpu.memory_space<vmem>>)
      %run_scoped3A = arith.constant 0 : i32
      "tpu.region"() ({
        %run_scoped3A_273 = tpu.sem_alloc : memref<!tpu.dma_semaphore, #tpu.memory_space<semaphore_mem>>
        %dma_start3A_274 = arith.constant 0 : i32
        %dma_start3A_275 = arith.constant 0 : i32
        %dma_start3A_276 = tpu.memref_slice %arg14[%run_scoped3A, %dma_start3A_274, %dma_start3A_275] : memref<2x256x128xf32, #tpu.memory_space<vmem>> -> memref<1x256x128xf32, #tpu.memory_space<vmem>>
        %dma_start3A_277 = tpu.memref_squeeze %dma_start3A_276 : memref<1x256x128xf32, #tpu.memory_space<vmem>> -> memref<256x128xf32, #tpu.memory_space<vmem>>
        %dma_start3A_278 = arith.constant 319488 : i32
        %dma_start3A_279 = arith.constant 0 : i32
        %dma_start3A_280 = tpu.memref_slice %arg7[%dma_start3A_278, %dma_start3A_279] : memref<320000x128xf32, #tpu.memory_space<hbm>> -> memref<256x128xf32, #tpu.memory_space<hbm>>
        %dma_start3A_281 = arith.constant 319488 : i32
        %dma_start3A_282 = arith.constant 0 : i32
        %dma_start3A_283 = tpu.memref_slice %arg7[%dma_start3A_281, %dma_start3A_282] : memref<320000x128xf32, #tpu.memory_space<hbm>> -> memref<256x128xf32, #tpu.memory_space<hbm>>
        %dma_start3A_284 = arith.constant 0 : i32
        %dma_start3A_285 = arith.constant 0 : i32
        %dma_start3A_286 = tpu.memref_slice %arg14[%run_scoped3A, %dma_start3A_284, %dma_start3A_285] : memref<2x256x128xf32, #tpu.memory_space<vmem>> -> memref<1x256x128xf32, #tpu.memory_space<vmem>>
        %dma_start3A_287 = tpu.memref_squeeze %dma_start3A_286 : memref<1x256x128xf32, #tpu.memory_space<vmem>> -> memref<256x128xf32, #tpu.memory_space<vmem>>
        tpu.enqueue_dma source(%dma_start3A_287 : memref<256x128xf32, #tpu.memory_space<vmem>>) target(%dma_start3A_283 : memref<256x128xf32, #tpu.memory_space<hbm>>) target_semaphore(%run_scoped3A_273 : memref<!tpu.dma_semaphore, #tpu.memory_space<semaphore_mem>>)
        %dma_wait3A_288 = arith.constant 0 : i32
        %dma_wait3A_289 = arith.constant 0 : i32
        %dma_wait3A_290 = tpu.memref_slice %arg14[%run_scoped3A, %dma_wait3A_288, %dma_wait3A_289] : memref<2x256x128xf32, #tpu.memory_space<vmem>> -> memref<1x256x128xf32, #tpu.memory_space<vmem>>
        %dma_wait3A_291 = tpu.memref_squeeze %dma_wait3A_290 : memref<1x256x128xf32, #tpu.memory_space<vmem>> -> memref<256x128xf32, #tpu.memory_space<vmem>>
        %dma_wait3A_292 = arith.constant 319488 : i32
        %dma_wait3A_293 = arith.constant 0 : i32
        %dma_wait3A_294 = tpu.memref_slice %arg7[%dma_wait3A_292, %dma_wait3A_293] : memref<320000x128xf32, #tpu.memory_space<hbm>> -> memref<256x128xf32, #tpu.memory_space<hbm>>
        %dma_wait3A_295 = arith.constant 319488 : i32
        %dma_wait3A_296 = arith.constant 0 : i32
        %dma_wait3A_297 = tpu.memref_slice %arg7[%dma_wait3A_295, %dma_wait3A_296] : memref<320000x128xf32, #tpu.memory_space<hbm>> -> memref<256x128xf32, #tpu.memory_space<hbm>>
        %dma_wait3A_298 = arith.constant 0 : i32
        %dma_wait3A_299 = arith.constant 0 : i32
        %dma_wait3A_300 = tpu.memref_slice %arg14[%run_scoped3A, %dma_wait3A_298, %dma_wait3A_299] : memref<2x256x128xf32, #tpu.memory_space<vmem>> -> memref<1x256x128xf32, #tpu.memory_space<vmem>>
        %dma_wait3A_301 = tpu.memref_squeeze %dma_wait3A_300 : memref<1x256x128xf32, #tpu.memory_space<vmem>> -> memref<256x128xf32, #tpu.memory_space<vmem>>
        tpu.wait_dma2 semaphore(%run_scoped3A_273 : memref<!tpu.dma_semaphore, #tpu.memory_space<semaphore_mem>>) src(%dma_wait3A_301 : memref<256x128xf32, #tpu.memory_space<vmem>>) dst(%dma_wait3A_297 : memref<256x128xf32, #tpu.memory_space<hbm>>)
        tpu.yield
      }) : () -> ()
      %dma_start3A_252 = arith.constant 0 : i32
      %dma_start3A_253 = arith.constant 0 : i32
      %dma_start3A_254 = arith.constant 0 : i32
      %dma_start3A_255 = tpu.memref_slice %arg14[%dma_start3A_252, %dma_start3A_253, %dma_start3A_254] : memref<2x256x128xf32, #tpu.memory_space<vmem>> -> memref<1x256x128xf32, #tpu.memory_space<vmem>>
      %dma_start3A_256 = tpu.memref_squeeze %dma_start3A_255 : memref<1x256x128xf32, #tpu.memory_space<vmem>> -> memref<256x128xf32, #tpu.memory_space<vmem>>
      %dma_start3A_257 = arith.constant 256 : i32
      %dma_start3A_258 = tpu.memref_slice %arg12[%dma_start3A_257] : memref<512xi32, #tpu.memory_space<vmem>> -> memref<256xi32, #tpu.memory_space<vmem>>
      %dma_start3A_259 = arith.constant 0 : i32
      %dma_start3A_260 = arith.constant 0 : i32
      %dma_start3A_261 = tpu.memref_slice %arg16[%dma_start3A_259, %dma_start3A_260] : memref<32x128xf32, #tpu.memory_space<vmem_shared>> -> memref<32x128xf32, #tpu.memory_space<vmem_shared>>
      tpu.enqueue_indirect_dma source(%dma_start3A_261 : memref<32x128xf32, #tpu.memory_space<vmem_shared>>) target(%dma_start3A_256 : memref<256x128xf32, #tpu.memory_space<vmem>>) offsets(%dma_start3A_258 : memref<256xi32, #tpu.memory_space<vmem>>) semaphore(%arg18 : memref<!tpu.dma_semaphore, #tpu.memory_space<semaphore_mem>>)
      %dma_wait3A_262 = arith.constant 0 : i32
      %dma_wait3A_263 = arith.constant 0 : i32
      %dma_wait3A_264 = arith.constant 0 : i32
      %dma_wait3A_265 = tpu.memref_slice %arg14[%dma_wait3A_262, %dma_wait3A_263, %dma_wait3A_264] : memref<2x256x128xf32, #tpu.memory_space<vmem>> -> memref<1x256x128xf32, #tpu.memory_space<vmem>>
      %dma_wait3A_266 = tpu.memref_squeeze %dma_wait3A_265 : memref<1x256x128xf32, #tpu.memory_space<vmem>> -> memref<256x128xf32, #tpu.memory_space<vmem>>
      %dma_wait3A_267 = arith.constant 256 : i32
      %dma_wait3A_268 = tpu.memref_slice %arg12[%dma_wait3A_267] : memref<512xi32, #tpu.memory_space<vmem>> -> memref<256xi32, #tpu.memory_space<vmem>>
      %dma_wait3A_269 = arith.constant 0 : i32
      %dma_wait3A_270 = arith.constant 0 : i32
      %dma_wait3A_271 = tpu.memref_slice %arg16[%dma_wait3A_269, %dma_wait3A_270] : memref<32x128xf32, #tpu.memory_space<vmem_shared>> -> memref<32x128xf32, #tpu.memory_space<vmem_shared>>
      tpu.wait_indirect_dma semaphore(%arg18 : memref<!tpu.dma_semaphore, #tpu.memory_space<semaphore_mem>>) src(%dma_wait3A_271 : memref<32x128xf32, #tpu.memory_space<vmem_shared>>) dst(%dma_wait3A_266 : memref<256x128xf32, #tpu.memory_space<vmem>>)
      %run_scoped3A_272 = arith.constant 0 : i32
      "tpu.region"() ({
        %run_scoped3A_273 = tpu.sem_alloc : memref<!tpu.dma_semaphore, #tpu.memory_space<semaphore_mem>>
        %dma_start3A_274 = arith.constant 0 : i32
        %dma_start3A_275 = arith.constant 0 : i32
        %dma_start3A_276 = tpu.memref_slice %arg14[%run_scoped3A_272, %dma_start3A_274, %dma_start3A_275] : memref<2x256x128xf32, #tpu.memory_space<vmem>> -> memref<1x256x128xf32, #tpu.memory_space<vmem>>
        %dma_start3A_277 = tpu.memref_squeeze %dma_start3A_276 : memref<1x256x128xf32, #tpu.memory_space<vmem>> -> memref<256x128xf32, #tpu.memory_space<vmem>>
        %dma_start3A_278 = arith.constant 319744 : i32
        %dma_start3A_279 = arith.constant 0 : i32
        %dma_start3A_280 = tpu.memref_slice %arg7[%dma_start3A_278, %dma_start3A_279] : memref<320000x128xf32, #tpu.memory_space<hbm>> -> memref<256x128xf32, #tpu.memory_space<hbm>>
        %dma_start3A_281 = arith.constant 319744 : i32
        %dma_start3A_282 = arith.constant 0 : i32
        %dma_start3A_283 = tpu.memref_slice %arg7[%dma_start3A_281, %dma_start3A_282] : memref<320000x128xf32, #tpu.memory_space<hbm>> -> memref<256x128xf32, #tpu.memory_space<hbm>>
        %dma_start3A_284 = arith.constant 0 : i32
        %dma_start3A_285 = arith.constant 0 : i32
        %dma_start3A_286 = tpu.memref_slice %arg14[%run_scoped3A_272, %dma_start3A_284, %dma_start3A_285] : memref<2x256x128xf32, #tpu.memory_space<vmem>> -> memref<1x256x128xf32, #tpu.memory_space<vmem>>
        %dma_start3A_287 = tpu.memref_squeeze %dma_start3A_286 : memref<1x256x128xf32, #tpu.memory_space<vmem>> -> memref<256x128xf32, #tpu.memory_space<vmem>>
        tpu.enqueue_dma source(%dma_start3A_287 : memref<256x128xf32, #tpu.memory_space<vmem>>) target(%dma_start3A_283 : memref<256x128xf32, #tpu.memory_space<hbm>>) target_semaphore(%run_scoped3A_273 : memref<!tpu.dma_semaphore, #tpu.memory_space<semaphore_mem>>)
        %dma_wait3A_288 = arith.constant 0 : i32
        %dma_wait3A_289 = arith.constant 0 : i32
        %dma_wait3A_290 = tpu.memref_slice %arg14[%run_scoped3A_272, %dma_wait3A_288, %dma_wait3A_289] : memref<2x256x128xf32, #tpu.memory_space<vmem>> -> memref<1x256x128xf32, #tpu.memory_space<vmem>>
        %dma_wait3A_291 = tpu.memref_squeeze %dma_wait3A_290 : memref<1x256x128xf32, #tpu.memory_space<vmem>> -> memref<256x128xf32, #tpu.memory_space<vmem>>
        %dma_wait3A_292 = arith.constant 319744 : i32
        %dma_wait3A_293 = arith.constant 0 : i32
        %dma_wait3A_294 = tpu.memref_slice %arg7[%dma_wait3A_292, %dma_wait3A_293] : memref<320000x128xf32, #tpu.memory_space<hbm>> -> memref<256x128xf32, #tpu.memory_space<hbm>>
        %dma_wait3A_295 = arith.constant 319744 : i32
        %dma_wait3A_296 = arith.constant 0 : i32
        %dma_wait3A_297 = tpu.memref_slice %arg7[%dma_wait3A_295, %dma_wait3A_296] : memref<320000x128xf32, #tpu.memory_space<hbm>> -> memref<256x128xf32, #tpu.memory_space<hbm>>
        %dma_wait3A_298 = arith.constant 0 : i32
        %dma_wait3A_299 = arith.constant 0 : i32
        %dma_wait3A_300 = tpu.memref_slice %arg14[%run_scoped3A_272, %dma_wait3A_298, %dma_wait3A_299] : memref<2x256x128xf32, #tpu.memory_space<vmem>> -> memref<1x256x128xf32, #tpu.memory_space<vmem>>
        %dma_wait3A_301 = tpu.memref_squeeze %dma_wait3A_300 : memref<1x256x128xf32, #tpu.memory_space<vmem>> -> memref<256x128xf32, #tpu.memory_space<vmem>>
        tpu.wait_dma2 semaphore(%run_scoped3A_273 : memref<!tpu.dma_semaphore, #tpu.memory_space<semaphore_mem>>) src(%dma_wait3A_301 : memref<256x128xf32, #tpu.memory_space<vmem>>) dst(%dma_wait3A_297 : memref<256x128xf32, #tpu.memory_space<hbm>>)
        tpu.yield
      }) : () -> ()
    } else {
    }
    %dma_start3A_160 = arith.constant 0 : i32
    %dma_start3A_161 = arith.constant 0 : i32
    %dma_start3A_162 = arith.constant 0 : i32
    %dma_start3A_163 = tpu.memref_slice %arg14[%dma_start3A_160, %dma_start3A_161, %dma_start3A_162] : memref<2x256x128xf32, #tpu.memory_space<vmem>> -> memref<1x256x128xf32, #tpu.memory_space<vmem>>
    %dma_start3A_164 = tpu.memref_squeeze %dma_start3A_163 : memref<1x256x128xf32, #tpu.memory_space<vmem>> -> memref<256x128xf32, #tpu.memory_space<vmem>>
    %dma_start3A_165 = arith.constant 0 : i32
    %dma_start3A_166 = tpu.memref_slice %arg11[%dma_start3A_165] : memref<9984xi32, #tpu.memory_space<vmem>> -> memref<256xi32, #tpu.memory_space<vmem>>
    %dma_start3A_167 = arith.constant 0 : i32
    %dma_start3A_168 = arith.constant 0 : i32
    %dma_start3A_169 = tpu.memref_slice %arg16[%dma_start3A_167, %dma_start3A_168] : memref<32x128xf32, #tpu.memory_space<vmem_shared>> -> memref<32x128xf32, #tpu.memory_space<vmem_shared>>
    tpu.enqueue_indirect_dma source(%dma_start3A_169 : memref<32x128xf32, #tpu.memory_space<vmem_shared>>) target(%dma_start3A_164 : memref<256x128xf32, #tpu.memory_space<vmem>>) offsets(%dma_start3A_166 : memref<256xi32, #tpu.memory_space<vmem>>) semaphore(%arg18 : memref<!tpu.dma_semaphore, #tpu.memory_space<semaphore_mem>>)
    %scan3A_170 = arith.constant 0 : i32
    %scan3A_171 = arith.constant 0 : i32
    %scan3A_172 = arith.constant 39 : i32
    %scan3A_173 = arith.addi %scan3A_171, %scan3A_172 : i32
    %scan3A_174 = arith.constant 1 : i32
    scf.for %scan3A_194 = %scan3A_171 to %scan3A_173 step %scan3A_174  : i32 {
      %jit3A = arith.constant 2 : i32
      %eq3A_195 = arith.constant 0 : i32
      %eq3A_196 = arith.cmpi eq, %jit3A, %eq3A_195 : i32
      %jit3A_197 = arith.constant 1 : i32
      %select_n3A = arith.select %eq3A_196, %jit3A_197, %jit3A : i32
      %rem3A = arith.remsi %scan3A_194, %select_n3A : i32
      %ne3A = arith.constant 0 : i32
      %ne3A_198 = arith.cmpi ne, %rem3A, %ne3A : i32
      %lt3A = arith.constant 0 : i32
      %lt3A_199 = arith.cmpi slt, %rem3A, %lt3A : i32
      %lt3A_200 = arith.constant 0 : i32
      %lt3A_201 = arith.cmpi slt, %select_n3A, %lt3A_200 : i32
      %ne3A_202 = arith.xori %lt3A_199, %lt3A_201 : i1
      %and3A = arith.andi %ne3A_202, %ne3A_198 : i1
      %add3A_203 = arith.addi %rem3A, %select_n3A : i32
      %select_n3A_204 = arith.select %and3A, %add3A_203, %rem3A : i32
      %eq3A_205 = arith.constant 0 : i32
      %eq3A_206 = arith.cmpi eq, %select_n3A_204, %eq3A_205 : i32
      %convert_element_type3A_207 = arith.extui %eq3A_206 : i1 to i32
      %cond3A_208 = arith.constant 0 : i32
      %cond3A_209 = arith.cmpi ne, %convert_element_type3A_207, %cond3A_208 : i32
      scf.if %cond3A_209 {
        %ge3A = arith.constant 1 : i32
        %ge3A_231 = arith.cmpi sge, %scan3A_194, %ge3A : i32
        %convert_element_type3A_232 = arith.extui %ge3A_231 : i1 to i32
        %cond3A_233 = arith.constant 0 : i32
        %cond3A_234 = arith.cmpi ne, %convert_element_type3A_232, %cond3A_233 : i32
        scf.if %cond3A_234 {
          %dma_wait3A_268 = arith.constant 1 : i32
          %dma_wait3A_269 = arith.constant 0 : i32
          %dma_wait3A_270 = arith.constant 0 : i32
          %dma_wait3A_271 = tpu.memref_slice %arg14[%dma_wait3A_268, %dma_wait3A_269, %dma_wait3A_270] : memref<2x256x128xf32, #tpu.memory_space<vmem>> -> memref<1x256x128xf32, #tpu.memory_space<vmem>>
          %dma_wait3A_272 = tpu.memref_squeeze %dma_wait3A_271 : memref<1x256x128xf32, #tpu.memory_space<vmem>> -> memref<256x128xf32, #tpu.memory_space<vmem>>
          %dma_wait3A_273 = arith.constant 0 : i32
          %dma_wait3A_274 = arith.constant 0 : i32
          %dma_wait3A_275 = tpu.memref_slice %arg7[%dma_wait3A_273, %dma_wait3A_274] : memref<320000x128xf32, #tpu.memory_space<hbm>> -> memref<256x128xf32, #tpu.memory_space<hbm>>
          %dma_wait3A_276 = arith.constant 0 : i32
          %dma_wait3A_277 = arith.constant 0 : i32
          %dma_wait3A_278 = tpu.memref_slice %arg7[%dma_wait3A_276, %dma_wait3A_277] : memref<320000x128xf32, #tpu.memory_space<hbm>> -> memref<256x128xf32, #tpu.memory_space<hbm>>
          %dma_wait3A_279 = arith.constant 0 : i32
          %dma_wait3A_280 = arith.constant 0 : i32
          %dma_wait3A_281 = tpu.memref_slice %arg14[%dma_wait3A_268, %dma_wait3A_279, %dma_wait3A_280] : memref<2x256x128xf32, #tpu.memory_space<vmem>> -> memref<1x256x128xf32, #tpu.memory_space<vmem>>
          %dma_wait3A_282 = tpu.memref_squeeze %dma_wait3A_281 : memref<1x256x128xf32, #tpu.memory_space<vmem>> -> memref<256x128xf32, #tpu.memory_space<vmem>>
          tpu.wait_dma2 semaphore(%arg20 : memref<!tpu.dma_semaphore, #tpu.memory_space<semaphore_mem>>) src(%dma_wait3A_282 : memref<256x128xf32, #tpu.memory_space<vmem>>) dst(%dma_wait3A_278 : memref<256x128xf32, #tpu.memory_space<hbm>>)
        } else {
        }
        %add3A_235 = arith.constant 1 : i32
        %add3A_236 = arith.addi %scan3A_194, %add3A_235 : i32
        %lt3A_237 = arith.constant 39 : i32
        %lt3A_238 = arith.cmpi slt, %add3A_236, %lt3A_237 : i32
        %convert_element_type3A_239 = arith.extui %lt3A_238 : i1 to i32
        %cond3A_240 = arith.constant 0 : i32
        %cond3A_241 = arith.cmpi ne, %convert_element_type3A_239, %cond3A_240 : i32
        scf.if %cond3A_241 {
          %add3A_268 = arith.constant 1 : i32
          %add3A_269 = arith.addi %scan3A_194, %add3A_268 : i32
          %mul3A_270 = arith.constant 256 : i32
          %mul3A_271 = arith.muli %mul3A_270, %add3A_269 : i32
          %dma_start3A_272 = arith.constant 1 : i32
          %dma_start3A_273 = arith.constant 0 : i32
          %dma_start3A_274 = arith.constant 0 : i32
          %dma_start3A_275 = tpu.memref_slice %arg14[%dma_start3A_272, %dma_start3A_273, %dma_start3A_274] : memref<2x256x128xf32, #tpu.memory_space<vmem>> -> memref<1x256x128xf32, #tpu.memory_space<vmem>>
          %dma_start3A_276 = tpu.memref_squeeze %dma_start3A_275 : memref<1x256x128xf32, #tpu.memory_space<vmem>> -> memref<256x128xf32, #tpu.memory_space<vmem>>
          %dma_start3A_277 = tpu.memref_slice %arg11[%mul3A_271] : memref<9984xi32, #tpu.memory_space<vmem>> -> memref<256xi32, #tpu.memory_space<vmem>>
          %dma_start3A_278 = arith.constant 0 : i32
          %dma_start3A_279 = arith.constant 0 : i32
          %dma_start3A_280 = tpu.memref_slice %arg16[%dma_start3A_278, %dma_start3A_279] : memref<32x128xf32, #tpu.memory_space<vmem_shared>> -> memref<32x128xf32, #tpu.memory_space<vmem_shared>>
          tpu.enqueue_indirect_dma source(%dma_start3A_280 : memref<32x128xf32, #tpu.memory_space<vmem_shared>>) target(%dma_start3A_276 : memref<256x128xf32, #tpu.memory_space<vmem>>) offsets(%dma_start3A_277 : memref<256xi32, #tpu.memory_space<vmem>>) semaphore(%arg19 : memref<!tpu.dma_semaphore, #tpu.memory_space<semaphore_mem>>)
        } else {
        }
        %dma_wait3A_242 = arith.constant 0 : i32
        %dma_wait3A_243 = arith.constant 0 : i32
        %dma_wait3A_244 = arith.constant 0 : i32
        %dma_wait3A_245 = tpu.memref_slice %arg14[%dma_wait3A_242, %dma_wait3A_243, %dma_wait3A_244] : memref<2x256x128xf32, #tpu.memory_space<vmem>> -> memref<1x256x128xf32, #tpu.memory_space<vmem>>
        %dma_wait3A_246 = tpu.memref_squeeze %dma_wait3A_245 : memref<1x256x128xf32, #tpu.memory_space<vmem>> -> memref<256x128xf32, #tpu.memory_space<vmem>>
        %dma_wait3A_247 = arith.constant 0 : i32
        %dma_wait3A_248 = tpu.memref_slice %arg11[%dma_wait3A_247] : memref<9984xi32, #tpu.memory_space<vmem>> -> memref<256xi32, #tpu.memory_space<vmem>>
        %dma_wait3A_249 = arith.constant 0 : i32
        %dma_wait3A_250 = arith.constant 0 : i32
        %dma_wait3A_251 = tpu.memref_slice %arg16[%dma_wait3A_249, %dma_wait3A_250] : memref<32x128xf32, #tpu.memory_space<vmem_shared>> -> memref<32x128xf32, #tpu.memory_space<vmem_shared>>
        tpu.wait_indirect_dma semaphore(%arg18 : memref<!tpu.dma_semaphore, #tpu.memory_space<semaphore_mem>>) src(%dma_wait3A_251 : memref<32x128xf32, #tpu.memory_space<vmem_shared>>) dst(%dma_wait3A_246 : memref<256x128xf32, #tpu.memory_space<vmem>>)
        %mul3A_252 = arith.constant 256 : i32
        %mul3A_253 = arith.muli %mul3A_252, %scan3A_194 : i32
        %add3A_254 = arith.addi %mul3A_2, %mul3A_253 : i32
        %dma_start3A_255 = arith.constant 0 : i32
        %dma_start3A_256 = arith.constant 0 : i32
        %dma_start3A_257 = arith.constant 0 : i32
        %dma_start3A_258 = tpu.memref_slice %arg14[%dma_start3A_255, %dma_start3A_256, %dma_start3A_257] : memref<2x256x128xf32, #tpu.memory_space<vmem>> -> memref<1x256x128xf32, #tpu.memory_space<vmem>>
        %dma_start3A_259 = tpu.memref_squeeze %dma_start3A_258 : memref<1x256x128xf32, #tpu.memory_space<vmem>> -> memref<256x128xf32, #tpu.memory_space<vmem>>
        %dma_start3A_260 = arith.constant 0 : i32
        %dma_start3A_261 = tpu.memref_slice %arg7[%add3A_254, %dma_start3A_260] : memref<320000x128xf32, #tpu.memory_space<hbm>> -> memref<256x128xf32, #tpu.memory_space<hbm>>
        %dma_start3A_262 = arith.constant 0 : i32
        %dma_start3A_263 = tpu.memref_slice %arg7[%add3A_254, %dma_start3A_262] : memref<320000x128xf32, #tpu.memory_space<hbm>> -> memref<256x128xf32, #tpu.memory_space<hbm>>
        %dma_start3A_264 = arith.constant 0 : i32
        %dma_start3A_265 = arith.constant 0 : i32
        %dma_start3A_266 = tpu.memref_slice %arg14[%dma_start3A_255, %dma_start3A_264, %dma_start3A_265] : memref<2x256x128xf32, #tpu.memory_space<vmem>> -> memref<1x256x128xf32, #tpu.memory_space<vmem>>
        %dma_start3A_267 = tpu.memref_squeeze %dma_start3A_266 : memref<1x256x128xf32, #tpu.memory_space<vmem>> -> memref<256x128xf32, #tpu.memory_space<vmem>>
        tpu.enqueue_dma source(%dma_start3A_267 : memref<256x128xf32, #tpu.memory_space<vmem>>) target(%dma_start3A_263 : memref<256x128xf32, #tpu.memory_space<hbm>>) target_semaphore(%arg20 : memref<!tpu.dma_semaphore, #tpu.memory_space<semaphore_mem>>)
      } else {
      }
      %jit3A_210 = arith.constant 2 : i32
      %eq3A_211 = arith.constant 0 : i32
      %eq3A_212 = arith.cmpi eq, %jit3A_210, %eq3A_211 : i32
      %jit3A_213 = arith.constant 1 : i32
      %select_n3A_214 = arith.select %eq3A_212, %jit3A_213, %jit3A_210 : i32
      %rem3A_215 = arith.remsi %scan3A_194, %select_n3A_214 : i32
      %ne3A_216 = arith.constant 0 : i32
      %ne3A_217 = arith.cmpi ne, %rem3A_215, %ne3A_216 : i32
      %lt3A_218 = arith.constant 0 : i32
      %lt3A_219 = arith.cmpi slt, %rem3A_215, %lt3A_218 : i32
      %lt3A_220 = arith.constant 0 : i32
      %lt3A_221 = arith.cmpi slt, %select_n3A_214, %lt3A_220 : i32
      %ne3A_222 = arith.xori %lt3A_219, %lt3A_221 : i1
      %and3A_223 = arith.andi %ne3A_222, %ne3A_217 : i1
      %add3A_224 = arith.addi %rem3A_215, %select_n3A_214 : i32
      %select_n3A_225 = arith.select %and3A_223, %add3A_224, %rem3A_215 : i32
      %eq3A_226 = arith.constant 1 : i32
      %eq3A_227 = arith.cmpi eq, %select_n3A_225, %eq3A_226 : i32
      %convert_element_type3A_228 = arith.extui %eq3A_227 : i1 to i32
      %cond3A_229 = arith.constant 0 : i32
      %cond3A_230 = arith.cmpi ne, %convert_element_type3A_228, %cond3A_229 : i32
      scf.if %cond3A_230 {
        %ge3A = arith.constant 1 : i32
        %ge3A_231 = arith.cmpi sge, %scan3A_194, %ge3A : i32
        %convert_element_type3A_232 = arith.extui %ge3A_231 : i1 to i32
        %cond3A_233 = arith.constant 0 : i32
        %cond3A_234 = arith.cmpi ne, %convert_element_type3A_232, %cond3A_233 : i32
        scf.if %cond3A_234 {
          %dma_wait3A_268 = arith.constant 0 : i32
          %dma_wait3A_269 = arith.constant 0 : i32
          %dma_wait3A_270 = arith.constant 0 : i32
          %dma_wait3A_271 = tpu.memref_slice %arg14[%dma_wait3A_268, %dma_wait3A_269, %dma_wait3A_270] : memref<2x256x128xf32, #tpu.memory_space<vmem>> -> memref<1x256x128xf32, #tpu.memory_space<vmem>>
          %dma_wait3A_272 = tpu.memref_squeeze %dma_wait3A_271 : memref<1x256x128xf32, #tpu.memory_space<vmem>> -> memref<256x128xf32, #tpu.memory_space<vmem>>
          %dma_wait3A_273 = arith.constant 0 : i32
          %dma_wait3A_274 = arith.constant 0 : i32
          %dma_wait3A_275 = tpu.memref_slice %arg7[%dma_wait3A_273, %dma_wait3A_274] : memref<320000x128xf32, #tpu.memory_space<hbm>> -> memref<256x128xf32, #tpu.memory_space<hbm>>
          %dma_wait3A_276 = arith.constant 0 : i32
          %dma_wait3A_277 = arith.constant 0 : i32
          %dma_wait3A_278 = tpu.memref_slice %arg7[%dma_wait3A_276, %dma_wait3A_277] : memref<320000x128xf32, #tpu.memory_space<hbm>> -> memref<256x128xf32, #tpu.memory_space<hbm>>
          %dma_wait3A_279 = arith.constant 0 : i32
          %dma_wait3A_280 = arith.constant 0 : i32
          %dma_wait3A_281 = tpu.memref_slice %arg14[%dma_wait3A_268, %dma_wait3A_279, %dma_wait3A_280] : memref<2x256x128xf32, #tpu.memory_space<vmem>> -> memref<1x256x128xf32, #tpu.memory_space<vmem>>
          %dma_wait3A_282 = tpu.memref_squeeze %dma_wait3A_281 : memref<1x256x128xf32, #tpu.memory_space<vmem>> -> memref<256x128xf32, #tpu.memory_space<vmem>>
          tpu.wait_dma2 semaphore(%arg20 : memref<!tpu.dma_semaphore, #tpu.memory_space<semaphore_mem>>) src(%dma_wait3A_282 : memref<256x128xf32, #tpu.memory_space<vmem>>) dst(%dma_wait3A_278 : memref<256x128xf32, #tpu.memory_space<hbm>>)
        } else {
        }
        %add3A_235 = arith.constant 1 : i32
        %add3A_236 = arith.addi %scan3A_194, %add3A_235 : i32
        %lt3A_237 = arith.constant 39 : i32
        %lt3A_238 = arith.cmpi slt, %add3A_236, %lt3A_237 : i32
        %convert_element_type3A_239 = arith.extui %lt3A_238 : i1 to i32
        %cond3A_240 = arith.constant 0 : i32
        %cond3A_241 = arith.cmpi ne, %convert_element_type3A_239, %cond3A_240 : i32
        scf.if %cond3A_241 {
          %add3A_268 = arith.constant 1 : i32
          %add3A_269 = arith.addi %scan3A_194, %add3A_268 : i32
          %mul3A_270 = arith.constant 256 : i32
          %mul3A_271 = arith.muli %mul3A_270, %add3A_269 : i32
          %dma_start3A_272 = arith.constant 0 : i32
          %dma_start3A_273 = arith.constant 0 : i32
          %dma_start3A_274 = arith.constant 0 : i32
          %dma_start3A_275 = tpu.memref_slice %arg14[%dma_start3A_272, %dma_start3A_273, %dma_start3A_274] : memref<2x256x128xf32, #tpu.memory_space<vmem>> -> memref<1x256x128xf32, #tpu.memory_space<vmem>>
          %dma_start3A_276 = tpu.memref_squeeze %dma_start3A_275 : memref<1x256x128xf32, #tpu.memory_space<vmem>> -> memref<256x128xf32, #tpu.memory_space<vmem>>
          %dma_start3A_277 = tpu.memref_slice %arg11[%mul3A_271] : memref<9984xi32, #tpu.memory_space<vmem>> -> memref<256xi32, #tpu.memory_space<vmem>>
          %dma_start3A_278 = arith.constant 0 : i32
          %dma_start3A_279 = arith.constant 0 : i32
          %dma_start3A_280 = tpu.memref_slice %arg16[%dma_start3A_278, %dma_start3A_279] : memref<32x128xf32, #tpu.memory_space<vmem_shared>> -> memref<32x128xf32, #tpu.memory_space<vmem_shared>>
          tpu.enqueue_indirect_dma source(%dma_start3A_280 : memref<32x128xf32, #tpu.memory_space<vmem_shared>>) target(%dma_start3A_276 : memref<256x128xf32, #tpu.memory_space<vmem>>) offsets(%dma_start3A_277 : memref<256xi32, #tpu.memory_space<vmem>>) semaphore(%arg18 : memref<!tpu.dma_semaphore, #tpu.memory_space<semaphore_mem>>)
        } else {
        }
        %dma_wait3A_242 = arith.constant 1 : i32
        %dma_wait3A_243 = arith.constant 0 : i32
        %dma_wait3A_244 = arith.constant 0 : i32
        %dma_wait3A_245 = tpu.memref_slice %arg14[%dma_wait3A_242, %dma_wait3A_243, %dma_wait3A_244] : memref<2x256x128xf32, #tpu.memory_space<vmem>> -> memref<1x256x128xf32, #tpu.memory_space<vmem>>
        %dma_wait3A_246 = tpu.memref_squeeze %dma_wait3A_245 : memref<1x256x128xf32, #tpu.memory_space<vmem>> -> memref<256x128xf32, #tpu.memory_space<vmem>>
        %dma_wait3A_247 = arith.constant 0 : i32
        %dma_wait3A_248 = tpu.memref_slice %arg11[%dma_wait3A_247] : memref<9984xi32, #tpu.memory_space<vmem>> -> memref<256xi32, #tpu.memory_space<vmem>>
        %dma_wait3A_249 = arith.constant 0 : i32
        %dma_wait3A_250 = arith.constant 0 : i32
        %dma_wait3A_251 = tpu.memref_slice %arg16[%dma_wait3A_249, %dma_wait3A_250] : memref<32x128xf32, #tpu.memory_space<vmem_shared>> -> memref<32x128xf32, #tpu.memory_space<vmem_shared>>
        tpu.wait_indirect_dma semaphore(%arg19 : memref<!tpu.dma_semaphore, #tpu.memory_space<semaphore_mem>>) src(%dma_wait3A_251 : memref<32x128xf32, #tpu.memory_space<vmem_shared>>) dst(%dma_wait3A_246 : memref<256x128xf32, #tpu.memory_space<vmem>>)
        %mul3A_252 = arith.constant 256 : i32
        %mul3A_253 = arith.muli %mul3A_252, %scan3A_194 : i32
        %add3A_254 = arith.addi %mul3A_2, %mul3A_253 : i32
        %dma_start3A_255 = arith.constant 1 : i32
        %dma_start3A_256 = arith.constant 0 : i32
        %dma_start3A_257 = arith.constant 0 : i32
        %dma_start3A_258 = tpu.memref_slice %arg14[%dma_start3A_255, %dma_start3A_256, %dma_start3A_257] : memref<2x256x128xf32, #tpu.memory_space<vmem>> -> memref<1x256x128xf32, #tpu.memory_space<vmem>>
        %dma_start3A_259 = tpu.memref_squeeze %dma_start3A_258 : memref<1x256x128xf32, #tpu.memory_space<vmem>> -> memref<256x128xf32, #tpu.memory_space<vmem>>
        %dma_start3A_260 = arith.constant 0 : i32
        %dma_start3A_261 = tpu.memref_slice %arg7[%add3A_254, %dma_start3A_260] : memref<320000x128xf32, #tpu.memory_space<hbm>> -> memref<256x128xf32, #tpu.memory_space<hbm>>
        %dma_start3A_262 = arith.constant 0 : i32
        %dma_start3A_263 = tpu.memref_slice %arg7[%add3A_254, %dma_start3A_262] : memref<320000x128xf32, #tpu.memory_space<hbm>> -> memref<256x128xf32, #tpu.memory_space<hbm>>
        %dma_start3A_264 = arith.constant 0 : i32
        %dma_start3A_265 = arith.constant 0 : i32
        %dma_start3A_266 = tpu.memref_slice %arg14[%dma_start3A_255, %dma_start3A_264, %dma_start3A_265] : memref<2x256x128xf32, #tpu.memory_space<vmem>> -> memref<1x256x128xf32, #tpu.memory_space<vmem>>
        %dma_start3A_267 = tpu.memref_squeeze %dma_start3A_266 : memref<1x256x128xf32, #tpu.memory_space<vmem>> -> memref<256x128xf32, #tpu.memory_space<vmem>>
        tpu.enqueue_dma source(%dma_start3A_267 : memref<256x128xf32, #tpu.memory_space<vmem>>) target(%dma_start3A_263 : memref<256x128xf32, #tpu.memory_space<hbm>>) target_semaphore(%arg20 : memref<!tpu.dma_semaphore, #tpu.memory_space<semaphore_mem>>)
      } else {
      }
    }
    %scan3A_175 = arith.constant 39 : i32
    %dma_wait3A_176 = arith.constant 1 : i32
    %dma_wait3A_177 = arith.constant 0 : i32
    %dma_wait3A_178 = arith.constant 0 : i32
    %dma_wait3A_179 = tpu.memref_slice %arg14[%dma_wait3A_176, %dma_wait3A_177, %dma_wait3A_178] : memref<2x256x128xf32, #tpu.memory_space<vmem>> -> memref<1x256x128xf32, #tpu.memory_space<vmem>>
    %dma_wait3A_180 = tpu.memref_squeeze %dma_wait3A_179 : memref<1x256x128xf32, #tpu.memory_space<vmem>> -> memref<256x128xf32, #tpu.memory_space<vmem>>
    %dma_wait3A_181 = arith.constant 0 : i32
    %dma_wait3A_182 = arith.constant 0 : i32
    %dma_wait3A_183 = tpu.memref_slice %arg7[%dma_wait3A_181, %dma_wait3A_182] : memref<320000x128xf32, #tpu.memory_space<hbm>> -> memref<256x128xf32, #tpu.memory_space<hbm>>
    %dma_wait3A_184 = arith.constant 0 : i32
    %dma_wait3A_185 = arith.constant 0 : i32
    %dma_wait3A_186 = tpu.memref_slice %arg7[%dma_wait3A_184, %dma_wait3A_185] : memref<320000x128xf32, #tpu.memory_space<hbm>> -> memref<256x128xf32, #tpu.memory_space<hbm>>
    %dma_wait3A_187 = arith.constant 0 : i32
    %dma_wait3A_188 = arith.constant 0 : i32
    %dma_wait3A_189 = tpu.memref_slice %arg14[%dma_wait3A_176, %dma_wait3A_187, %dma_wait3A_188] : memref<2x256x128xf32, #tpu.memory_space<vmem>> -> memref<1x256x128xf32, #tpu.memory_space<vmem>>
    %dma_wait3A_190 = tpu.memref_squeeze %dma_wait3A_189 : memref<1x256x128xf32, #tpu.memory_space<vmem>> -> memref<256x128xf32, #tpu.memory_space<vmem>>
    tpu.wait_dma2 semaphore(%arg20 : memref<!tpu.dma_semaphore, #tpu.memory_space<semaphore_mem>>) src(%dma_wait3A_190 : memref<256x128xf32, #tpu.memory_space<vmem>>) dst(%dma_wait3A_186 : memref<256x128xf32, #tpu.memory_space<hbm>>)
    %dma_wait3A_191 = arith.constant 0 : i32
    %dma_wait3A_192 = arith.constant 0 : i32
    %dma_wait3A_193 = tpu.memref_slice %arg6[%dma_wait3A_191, %dma_wait3A_192] : memref<10000x128xf32, #tpu.memory_space<hbm>> -> memref<10000x128xf32, #tpu.memory_space<hbm>>
    tpu.wait_indirect_dma semaphore(%arg21 : memref<!tpu.dma_semaphore, #tpu.memory_space<semaphore_mem>>) src(%dma_wait3A_193 : memref<10000x128xf32, #tpu.memory_space<hbm>>) dst(%arg15 : memref<384x128xf32, #tpu.memory_space<vmem>>)
    "tpu.region"() ({
      %run_scoped3A = tpu.sem_alloc : memref<!tpu.dma_semaphore, #tpu.memory_space<semaphore_mem>>
      %dma_start3A_194 = arith.constant 0 : i32
      %dma_start3A_195 = tpu.memref_slice %arg8[%mul3A_4, %dma_start3A_194] : memref<12288x128xf32, #tpu.memory_space<hbm>> -> memref<384x128xf32, #tpu.memory_space<hbm>>
      %dma_start3A_196 = arith.constant 0 : i32
      %dma_start3A_197 = tpu.memref_slice %arg8[%mul3A_4, %dma_start3A_196] : memref<12288x128xf32, #tpu.memory_space<hbm>> -> memref<384x128xf32, #tpu.memory_space<hbm>>
      tpu.enqueue_dma source(%arg15 : memref<384x128xf32, #tpu.memory_space<vmem>>) target(%dma_start3A_197 : memref<384x128xf32, #tpu.memory_space<hbm>>) target_semaphore(%run_scoped3A : memref<!tpu.dma_semaphore, #tpu.memory_space<semaphore_mem>>)
      %dma_wait3A_198 = arith.constant 0 : i32
      %dma_wait3A_199 = tpu.memref_slice %arg8[%mul3A_4, %dma_wait3A_198] : memref<12288x128xf32, #tpu.memory_space<hbm>> -> memref<384x128xf32, #tpu.memory_space<hbm>>
      %dma_wait3A_200 = arith.constant 0 : i32
      %dma_wait3A_201 = tpu.memref_slice %arg8[%mul3A_4, %dma_wait3A_200] : memref<12288x128xf32, #tpu.memory_space<hbm>> -> memref<384x128xf32, #tpu.memory_space<hbm>>
      tpu.wait_dma2 semaphore(%run_scoped3A : memref<!tpu.dma_semaphore, #tpu.memory_space<semaphore_mem>>) src(%arg15 : memref<384x128xf32, #tpu.memory_space<vmem>>) dst(%dma_wait3A_201 : memref<384x128xf32, #tpu.memory_space<hbm>>)
      tpu.yield
    }) : () -> ()
    return
  }
}

module attributes {stable_mosaic.version = 14 : i64} {
  func.func @_comb_body(%arg0: memref<8x128xf32, #tpu.memory_space<vmem>>, %arg1: memref<4x128xf32, #tpu.memory_space<vmem>>, %arg2: memref<32x128xf32, #tpu.memory_space<vmem>>) attributes {dimension_semantics = [], scalar_prefetch = 0 : i64, scratch_operands = 0 : i64, tpu.core_type = #tpu.core_type<tc>} {
    %iota3A = tpu.iota {dimensions = array<i32: 0>} : vector<32x128xi32>
    %broadcast_in_dim3A = arith.constant 0.000000e+00 : f32
    %broadcast_in_dim3A_0 = vector.broadcast %broadcast_in_dim3A : f32 to vector<32x128xf32>
    %jit3A = arith.constant 4 : i32
    %div3A = vector.broadcast %jit3A : i32 to vector<32x128xi32>
    %div3A_1 = arith.divsi %iota3A, %div3A : vector<32x128xi32>
    %sign3A = arith.constant 0 : i32
    %sign3A_2 = vector.broadcast %sign3A : i32 to vector<32x128xi32>
    %sign3A_3 = arith.cmpi sgt, %iota3A, %sign3A_2 : vector<32x128xi32>
    %sign3A_4 = arith.extui %sign3A_3 : vector<32x128xi1> to vector<32x128xi32>
    %sign3A_5 = arith.constant 0 : i32
    %sign3A_6 = vector.broadcast %sign3A_5 : i32 to vector<32x128xi32>
    %sign3A_7 = arith.cmpi slt, %iota3A, %sign3A_6 : vector<32x128xi32>
    %sign3A_8 = arith.extui %sign3A_7 : vector<32x128xi1> to vector<32x128xi32>
    %sign3A_9 = arith.subi %sign3A_4, %sign3A_8 : vector<32x128xi32>
    %sign3A_10 = arith.constant 0 : i32
    %sign3A_11 = arith.cmpi sgt, %jit3A, %sign3A_10 : i32
    %sign3A_12 = arith.extui %sign3A_11 : i1 to i32
    %sign3A_13 = arith.constant 0 : i32
    %sign3A_14 = arith.cmpi slt, %jit3A, %sign3A_13 : i32
    %sign3A_15 = arith.extui %sign3A_14 : i1 to i32
    %sign3A_16 = arith.subi %sign3A_12, %sign3A_15 : i32
    %ne3A = vector.broadcast %sign3A_16 : i32 to vector<32x128xi32>
    %ne3A_17 = arith.cmpi ne, %sign3A_9, %ne3A : vector<32x128xi32>
    %rem3A = vector.broadcast %jit3A : i32 to vector<32x128xi32>
    %rem3A_18 = arith.remsi %iota3A, %rem3A : vector<32x128xi32>
    %ne3A_19 = arith.constant 0 : i32
    %ne3A_20 = vector.broadcast %ne3A_19 : i32 to vector<32x128xi32>
    %ne3A_21 = arith.cmpi ne, %rem3A_18, %ne3A_20 : vector<32x128xi32>
    %and3A = arith.andi %ne3A_17, %ne3A_21 : vector<32x128xi1>
    %sub3A = arith.constant 1 : i32
    %sub3A_22 = vector.broadcast %sub3A : i32 to vector<32x128xi32>
    %sub3A_23 = arith.subi %div3A_1, %sub3A_22 : vector<32x128xi32>
    %select_n3A = arith.select %and3A, %sub3A_23, %div3A_1 : vector<32x128xi1>, vector<32x128xi32>
    %eq3A = arith.constant 0 : i32
    %eq3A_24 = vector.broadcast %eq3A : i32 to vector<32x128xi32>
    %eq3A_25 = arith.cmpi eq, %select_n3A, %eq3A_24 : vector<32x128xi32>
    %get3A = arith.constant 0 : index
    %get3A_26 = arith.constant 0 : index
    %get3A_27 = vector.load %arg0[%get3A, %get3A_26] : memref<8x128xf32, #tpu.memory_space<vmem>>, vector<1x128xf32>
    %jit3A_28 = arith.constant 0.000000e+00 : f32
    %broadcast_in_dim3A_29 = vector.shape_cast %get3A_27 : vector<1x128xf32> to vector<1x128xf32>
    %broadcast_in_dim3A_30 = vector.broadcast %broadcast_in_dim3A_29 : vector<1x128xf32> to vector<32x128xf32>
    %broadcast_in_dim3A_31 = vector.broadcast %jit3A_28 : f32 to vector<32x128xf32>
    %select_n3A_32 = arith.select %eq3A_25, %broadcast_in_dim3A_30, %broadcast_in_dim3A_31 : vector<32x128xi1>, vector<32x128xf32>
    %add3A = arith.addf %broadcast_in_dim3A_0, %select_n3A_32 : vector<32x128xf32>
    %jit3A_33 = arith.constant 4 : i32
    %div3A_34 = vector.broadcast %jit3A_33 : i32 to vector<32x128xi32>
    %div3A_35 = arith.divsi %iota3A, %div3A_34 : vector<32x128xi32>
    %sign3A_36 = arith.constant 0 : i32
    %sign3A_37 = vector.broadcast %sign3A_36 : i32 to vector<32x128xi32>
    %sign3A_38 = arith.cmpi sgt, %iota3A, %sign3A_37 : vector<32x128xi32>
    %sign3A_39 = arith.extui %sign3A_38 : vector<32x128xi1> to vector<32x128xi32>
    %sign3A_40 = arith.constant 0 : i32
    %sign3A_41 = vector.broadcast %sign3A_40 : i32 to vector<32x128xi32>
    %sign3A_42 = arith.cmpi slt, %iota3A, %sign3A_41 : vector<32x128xi32>
    %sign3A_43 = arith.extui %sign3A_42 : vector<32x128xi1> to vector<32x128xi32>
    %sign3A_44 = arith.subi %sign3A_39, %sign3A_43 : vector<32x128xi32>
    %sign3A_45 = arith.constant 0 : i32
    %sign3A_46 = arith.cmpi sgt, %jit3A_33, %sign3A_45 : i32
    %sign3A_47 = arith.extui %sign3A_46 : i1 to i32
    %sign3A_48 = arith.constant 0 : i32
    %sign3A_49 = arith.cmpi slt, %jit3A_33, %sign3A_48 : i32
    %sign3A_50 = arith.extui %sign3A_49 : i1 to i32
    %sign3A_51 = arith.subi %sign3A_47, %sign3A_50 : i32
    %ne3A_52 = vector.broadcast %sign3A_51 : i32 to vector<32x128xi32>
    %ne3A_53 = arith.cmpi ne, %sign3A_44, %ne3A_52 : vector<32x128xi32>
    %rem3A_54 = vector.broadcast %jit3A_33 : i32 to vector<32x128xi32>
    %rem3A_55 = arith.remsi %iota3A, %rem3A_54 : vector<32x128xi32>
    %ne3A_56 = arith.constant 0 : i32
    %ne3A_57 = vector.broadcast %ne3A_56 : i32 to vector<32x128xi32>
    %ne3A_58 = arith.cmpi ne, %rem3A_55, %ne3A_57 : vector<32x128xi32>
    %and3A_59 = arith.andi %ne3A_53, %ne3A_58 : vector<32x128xi1>
    %sub3A_60 = arith.constant 1 : i32
    %sub3A_61 = vector.broadcast %sub3A_60 : i32 to vector<32x128xi32>
    %sub3A_62 = arith.subi %div3A_35, %sub3A_61 : vector<32x128xi32>
    %select_n3A_63 = arith.select %and3A_59, %sub3A_62, %div3A_35 : vector<32x128xi1>, vector<32x128xi32>
    %eq3A_64 = arith.constant 1 : i32
    %eq3A_65 = vector.broadcast %eq3A_64 : i32 to vector<32x128xi32>
    %eq3A_66 = arith.cmpi eq, %select_n3A_63, %eq3A_65 : vector<32x128xi32>
    %get3A_67 = arith.constant 1 : index
    %get3A_68 = arith.constant 0 : index
    %get3A_69 = vector.load %arg0[%get3A_67, %get3A_68] : memref<8x128xf32, #tpu.memory_space<vmem>>, vector<1x128xf32>
    %jit3A_70 = arith.constant 0.000000e+00 : f32
    %broadcast_in_dim3A_71 = vector.shape_cast %get3A_69 : vector<1x128xf32> to vector<1x128xf32>
    %broadcast_in_dim3A_72 = vector.broadcast %broadcast_in_dim3A_71 : vector<1x128xf32> to vector<32x128xf32>
    %broadcast_in_dim3A_73 = vector.broadcast %jit3A_70 : f32 to vector<32x128xf32>
    %select_n3A_74 = arith.select %eq3A_66, %broadcast_in_dim3A_72, %broadcast_in_dim3A_73 : vector<32x128xi1>, vector<32x128xf32>
    %add3A_75 = arith.addf %add3A, %select_n3A_74 : vector<32x128xf32>
    %jit3A_76 = arith.constant 4 : i32
    %div3A_77 = vector.broadcast %jit3A_76 : i32 to vector<32x128xi32>
    %div3A_78 = arith.divsi %iota3A, %div3A_77 : vector<32x128xi32>
    %sign3A_79 = arith.constant 0 : i32
    %sign3A_80 = vector.broadcast %sign3A_79 : i32 to vector<32x128xi32>
    %sign3A_81 = arith.cmpi sgt, %iota3A, %sign3A_80 : vector<32x128xi32>
    %sign3A_82 = arith.extui %sign3A_81 : vector<32x128xi1> to vector<32x128xi32>
    %sign3A_83 = arith.constant 0 : i32
    %sign3A_84 = vector.broadcast %sign3A_83 : i32 to vector<32x128xi32>
    %sign3A_85 = arith.cmpi slt, %iota3A, %sign3A_84 : vector<32x128xi32>
    %sign3A_86 = arith.extui %sign3A_85 : vector<32x128xi1> to vector<32x128xi32>
    %sign3A_87 = arith.subi %sign3A_82, %sign3A_86 : vector<32x128xi32>
    %sign3A_88 = arith.constant 0 : i32
    %sign3A_89 = arith.cmpi sgt, %jit3A_76, %sign3A_88 : i32
    %sign3A_90 = arith.extui %sign3A_89 : i1 to i32
    %sign3A_91 = arith.constant 0 : i32
    %sign3A_92 = arith.cmpi slt, %jit3A_76, %sign3A_91 : i32
    %sign3A_93 = arith.extui %sign3A_92 : i1 to i32
    %sign3A_94 = arith.subi %sign3A_90, %sign3A_93 : i32
    %ne3A_95 = vector.broadcast %sign3A_94 : i32 to vector<32x128xi32>
    %ne3A_96 = arith.cmpi ne, %sign3A_87, %ne3A_95 : vector<32x128xi32>
    %rem3A_97 = vector.broadcast %jit3A_76 : i32 to vector<32x128xi32>
    %rem3A_98 = arith.remsi %iota3A, %rem3A_97 : vector<32x128xi32>
    %ne3A_99 = arith.constant 0 : i32
    %ne3A_100 = vector.broadcast %ne3A_99 : i32 to vector<32x128xi32>
    %ne3A_101 = arith.cmpi ne, %rem3A_98, %ne3A_100 : vector<32x128xi32>
    %and3A_102 = arith.andi %ne3A_96, %ne3A_101 : vector<32x128xi1>
    %sub3A_103 = arith.constant 1 : i32
    %sub3A_104 = vector.broadcast %sub3A_103 : i32 to vector<32x128xi32>
    %sub3A_105 = arith.subi %div3A_78, %sub3A_104 : vector<32x128xi32>
    %select_n3A_106 = arith.select %and3A_102, %sub3A_105, %div3A_78 : vector<32x128xi1>, vector<32x128xi32>
    %eq3A_107 = arith.constant 2 : i32
    %eq3A_108 = vector.broadcast %eq3A_107 : i32 to vector<32x128xi32>
    %eq3A_109 = arith.cmpi eq, %select_n3A_106, %eq3A_108 : vector<32x128xi32>
    %get3A_110 = arith.constant 2 : index
    %get3A_111 = arith.constant 0 : index
    %get3A_112 = vector.load %arg0[%get3A_110, %get3A_111] : memref<8x128xf32, #tpu.memory_space<vmem>>, vector<1x128xf32>
    %jit3A_113 = arith.constant 0.000000e+00 : f32
    %broadcast_in_dim3A_114 = vector.shape_cast %get3A_112 : vector<1x128xf32> to vector<1x128xf32>
    %broadcast_in_dim3A_115 = vector.broadcast %broadcast_in_dim3A_114 : vector<1x128xf32> to vector<32x128xf32>
    %broadcast_in_dim3A_116 = vector.broadcast %jit3A_113 : f32 to vector<32x128xf32>
    %select_n3A_117 = arith.select %eq3A_109, %broadcast_in_dim3A_115, %broadcast_in_dim3A_116 : vector<32x128xi1>, vector<32x128xf32>
    %add3A_118 = arith.addf %add3A_75, %select_n3A_117 : vector<32x128xf32>
    %jit3A_119 = arith.constant 4 : i32
    %div3A_120 = vector.broadcast %jit3A_119 : i32 to vector<32x128xi32>
    %div3A_121 = arith.divsi %iota3A, %div3A_120 : vector<32x128xi32>
    %sign3A_122 = arith.constant 0 : i32
    %sign3A_123 = vector.broadcast %sign3A_122 : i32 to vector<32x128xi32>
    %sign3A_124 = arith.cmpi sgt, %iota3A, %sign3A_123 : vector<32x128xi32>
    %sign3A_125 = arith.extui %sign3A_124 : vector<32x128xi1> to vector<32x128xi32>
    %sign3A_126 = arith.constant 0 : i32
    %sign3A_127 = vector.broadcast %sign3A_126 : i32 to vector<32x128xi32>
    %sign3A_128 = arith.cmpi slt, %iota3A, %sign3A_127 : vector<32x128xi32>
    %sign3A_129 = arith.extui %sign3A_128 : vector<32x128xi1> to vector<32x128xi32>
    %sign3A_130 = arith.subi %sign3A_125, %sign3A_129 : vector<32x128xi32>
    %sign3A_131 = arith.constant 0 : i32
    %sign3A_132 = arith.cmpi sgt, %jit3A_119, %sign3A_131 : i32
    %sign3A_133 = arith.extui %sign3A_132 : i1 to i32
    %sign3A_134 = arith.constant 0 : i32
    %sign3A_135 = arith.cmpi slt, %jit3A_119, %sign3A_134 : i32
    %sign3A_136 = arith.extui %sign3A_135 : i1 to i32
    %sign3A_137 = arith.subi %sign3A_133, %sign3A_136 : i32
    %ne3A_138 = vector.broadcast %sign3A_137 : i32 to vector<32x128xi32>
    %ne3A_139 = arith.cmpi ne, %sign3A_130, %ne3A_138 : vector<32x128xi32>
    %rem3A_140 = vector.broadcast %jit3A_119 : i32 to vector<32x128xi32>
    %rem3A_141 = arith.remsi %iota3A, %rem3A_140 : vector<32x128xi32>
    %ne3A_142 = arith.constant 0 : i32
    %ne3A_143 = vector.broadcast %ne3A_142 : i32 to vector<32x128xi32>
    %ne3A_144 = arith.cmpi ne, %rem3A_141, %ne3A_143 : vector<32x128xi32>
    %and3A_145 = arith.andi %ne3A_139, %ne3A_144 : vector<32x128xi1>
    %sub3A_146 = arith.constant 1 : i32
    %sub3A_147 = vector.broadcast %sub3A_146 : i32 to vector<32x128xi32>
    %sub3A_148 = arith.subi %div3A_121, %sub3A_147 : vector<32x128xi32>
    %select_n3A_149 = arith.select %and3A_145, %sub3A_148, %div3A_121 : vector<32x128xi1>, vector<32x128xi32>
    %eq3A_150 = arith.constant 3 : i32
    %eq3A_151 = vector.broadcast %eq3A_150 : i32 to vector<32x128xi32>
    %eq3A_152 = arith.cmpi eq, %select_n3A_149, %eq3A_151 : vector<32x128xi32>
    %get3A_153 = arith.constant 3 : index
    %get3A_154 = arith.constant 0 : index
    %get3A_155 = vector.load %arg0[%get3A_153, %get3A_154] : memref<8x128xf32, #tpu.memory_space<vmem>>, vector<1x128xf32>
    %jit3A_156 = arith.constant 0.000000e+00 : f32
    %broadcast_in_dim3A_157 = vector.shape_cast %get3A_155 : vector<1x128xf32> to vector<1x128xf32>
    %broadcast_in_dim3A_158 = vector.broadcast %broadcast_in_dim3A_157 : vector<1x128xf32> to vector<32x128xf32>
    %broadcast_in_dim3A_159 = vector.broadcast %jit3A_156 : f32 to vector<32x128xf32>
    %select_n3A_160 = arith.select %eq3A_152, %broadcast_in_dim3A_158, %broadcast_in_dim3A_159 : vector<32x128xi1>, vector<32x128xf32>
    %add3A_161 = arith.addf %add3A_118, %select_n3A_160 : vector<32x128xf32>
    %jit3A_162 = arith.constant 4 : i32
    %div3A_163 = vector.broadcast %jit3A_162 : i32 to vector<32x128xi32>
    %div3A_164 = arith.divsi %iota3A, %div3A_163 : vector<32x128xi32>
    %sign3A_165 = arith.constant 0 : i32
    %sign3A_166 = vector.broadcast %sign3A_165 : i32 to vector<32x128xi32>
    %sign3A_167 = arith.cmpi sgt, %iota3A, %sign3A_166 : vector<32x128xi32>
    %sign3A_168 = arith.extui %sign3A_167 : vector<32x128xi1> to vector<32x128xi32>
    %sign3A_169 = arith.constant 0 : i32
    %sign3A_170 = vector.broadcast %sign3A_169 : i32 to vector<32x128xi32>
    %sign3A_171 = arith.cmpi slt, %iota3A, %sign3A_170 : vector<32x128xi32>
    %sign3A_172 = arith.extui %sign3A_171 : vector<32x128xi1> to vector<32x128xi32>
    %sign3A_173 = arith.subi %sign3A_168, %sign3A_172 : vector<32x128xi32>
    %sign3A_174 = arith.constant 0 : i32
    %sign3A_175 = arith.cmpi sgt, %jit3A_162, %sign3A_174 : i32
    %sign3A_176 = arith.extui %sign3A_175 : i1 to i32
    %sign3A_177 = arith.constant 0 : i32
    %sign3A_178 = arith.cmpi slt, %jit3A_162, %sign3A_177 : i32
    %sign3A_179 = arith.extui %sign3A_178 : i1 to i32
    %sign3A_180 = arith.subi %sign3A_176, %sign3A_179 : i32
    %ne3A_181 = vector.broadcast %sign3A_180 : i32 to vector<32x128xi32>
    %ne3A_182 = arith.cmpi ne, %sign3A_173, %ne3A_181 : vector<32x128xi32>
    %rem3A_183 = vector.broadcast %jit3A_162 : i32 to vector<32x128xi32>
    %rem3A_184 = arith.remsi %iota3A, %rem3A_183 : vector<32x128xi32>
    %ne3A_185 = arith.constant 0 : i32
    %ne3A_186 = vector.broadcast %ne3A_185 : i32 to vector<32x128xi32>
    %ne3A_187 = arith.cmpi ne, %rem3A_184, %ne3A_186 : vector<32x128xi32>
    %and3A_188 = arith.andi %ne3A_182, %ne3A_187 : vector<32x128xi1>
    %sub3A_189 = arith.constant 1 : i32
    %sub3A_190 = vector.broadcast %sub3A_189 : i32 to vector<32x128xi32>
    %sub3A_191 = arith.subi %div3A_164, %sub3A_190 : vector<32x128xi32>
    %select_n3A_192 = arith.select %and3A_188, %sub3A_191, %div3A_164 : vector<32x128xi1>, vector<32x128xi32>
    %eq3A_193 = arith.constant 4 : i32
    %eq3A_194 = vector.broadcast %eq3A_193 : i32 to vector<32x128xi32>
    %eq3A_195 = arith.cmpi eq, %select_n3A_192, %eq3A_194 : vector<32x128xi32>
    %get3A_196 = arith.constant 4 : index
    %get3A_197 = arith.constant 0 : index
    %get3A_198 = vector.load %arg0[%get3A_196, %get3A_197] : memref<8x128xf32, #tpu.memory_space<vmem>>, vector<1x128xf32>
    %jit3A_199 = arith.constant 0.000000e+00 : f32
    %broadcast_in_dim3A_200 = vector.shape_cast %get3A_198 : vector<1x128xf32> to vector<1x128xf32>
    %broadcast_in_dim3A_201 = vector.broadcast %broadcast_in_dim3A_200 : vector<1x128xf32> to vector<32x128xf32>
    %broadcast_in_dim3A_202 = vector.broadcast %jit3A_199 : f32 to vector<32x128xf32>
    %select_n3A_203 = arith.select %eq3A_195, %broadcast_in_dim3A_201, %broadcast_in_dim3A_202 : vector<32x128xi1>, vector<32x128xf32>
    %add3A_204 = arith.addf %add3A_161, %select_n3A_203 : vector<32x128xf32>
    %jit3A_205 = arith.constant 4 : i32
    %div3A_206 = vector.broadcast %jit3A_205 : i32 to vector<32x128xi32>
    %div3A_207 = arith.divsi %iota3A, %div3A_206 : vector<32x128xi32>
    %sign3A_208 = arith.constant 0 : i32
    %sign3A_209 = vector.broadcast %sign3A_208 : i32 to vector<32x128xi32>
    %sign3A_210 = arith.cmpi sgt, %iota3A, %sign3A_209 : vector<32x128xi32>
    %sign3A_211 = arith.extui %sign3A_210 : vector<32x128xi1> to vector<32x128xi32>
    %sign3A_212 = arith.constant 0 : i32
    %sign3A_213 = vector.broadcast %sign3A_212 : i32 to vector<32x128xi32>
    %sign3A_214 = arith.cmpi slt, %iota3A, %sign3A_213 : vector<32x128xi32>
    %sign3A_215 = arith.extui %sign3A_214 : vector<32x128xi1> to vector<32x128xi32>
    %sign3A_216 = arith.subi %sign3A_211, %sign3A_215 : vector<32x128xi32>
    %sign3A_217 = arith.constant 0 : i32
    %sign3A_218 = arith.cmpi sgt, %jit3A_205, %sign3A_217 : i32
    %sign3A_219 = arith.extui %sign3A_218 : i1 to i32
    %sign3A_220 = arith.constant 0 : i32
    %sign3A_221 = arith.cmpi slt, %jit3A_205, %sign3A_220 : i32
    %sign3A_222 = arith.extui %sign3A_221 : i1 to i32
    %sign3A_223 = arith.subi %sign3A_219, %sign3A_222 : i32
    %ne3A_224 = vector.broadcast %sign3A_223 : i32 to vector<32x128xi32>
    %ne3A_225 = arith.cmpi ne, %sign3A_216, %ne3A_224 : vector<32x128xi32>
    %rem3A_226 = vector.broadcast %jit3A_205 : i32 to vector<32x128xi32>
    %rem3A_227 = arith.remsi %iota3A, %rem3A_226 : vector<32x128xi32>
    %ne3A_228 = arith.constant 0 : i32
    %ne3A_229 = vector.broadcast %ne3A_228 : i32 to vector<32x128xi32>
    %ne3A_230 = arith.cmpi ne, %rem3A_227, %ne3A_229 : vector<32x128xi32>
    %and3A_231 = arith.andi %ne3A_225, %ne3A_230 : vector<32x128xi1>
    %sub3A_232 = arith.constant 1 : i32
    %sub3A_233 = vector.broadcast %sub3A_232 : i32 to vector<32x128xi32>
    %sub3A_234 = arith.subi %div3A_207, %sub3A_233 : vector<32x128xi32>
    %select_n3A_235 = arith.select %and3A_231, %sub3A_234, %div3A_207 : vector<32x128xi1>, vector<32x128xi32>
    %eq3A_236 = arith.constant 5 : i32
    %eq3A_237 = vector.broadcast %eq3A_236 : i32 to vector<32x128xi32>
    %eq3A_238 = arith.cmpi eq, %select_n3A_235, %eq3A_237 : vector<32x128xi32>
    %get3A_239 = arith.constant 5 : index
    %get3A_240 = arith.constant 0 : index
    %get3A_241 = vector.load %arg0[%get3A_239, %get3A_240] : memref<8x128xf32, #tpu.memory_space<vmem>>, vector<1x128xf32>
    %jit3A_242 = arith.constant 0.000000e+00 : f32
    %broadcast_in_dim3A_243 = vector.shape_cast %get3A_241 : vector<1x128xf32> to vector<1x128xf32>
    %broadcast_in_dim3A_244 = vector.broadcast %broadcast_in_dim3A_243 : vector<1x128xf32> to vector<32x128xf32>
    %broadcast_in_dim3A_245 = vector.broadcast %jit3A_242 : f32 to vector<32x128xf32>
    %select_n3A_246 = arith.select %eq3A_238, %broadcast_in_dim3A_244, %broadcast_in_dim3A_245 : vector<32x128xi1>, vector<32x128xf32>
    %add3A_247 = arith.addf %add3A_204, %select_n3A_246 : vector<32x128xf32>
    %jit3A_248 = arith.constant 4 : i32
    %div3A_249 = vector.broadcast %jit3A_248 : i32 to vector<32x128xi32>
    %div3A_250 = arith.divsi %iota3A, %div3A_249 : vector<32x128xi32>
    %sign3A_251 = arith.constant 0 : i32
    %sign3A_252 = vector.broadcast %sign3A_251 : i32 to vector<32x128xi32>
    %sign3A_253 = arith.cmpi sgt, %iota3A, %sign3A_252 : vector<32x128xi32>
    %sign3A_254 = arith.extui %sign3A_253 : vector<32x128xi1> to vector<32x128xi32>
    %sign3A_255 = arith.constant 0 : i32
    %sign3A_256 = vector.broadcast %sign3A_255 : i32 to vector<32x128xi32>
    %sign3A_257 = arith.cmpi slt, %iota3A, %sign3A_256 : vector<32x128xi32>
    %sign3A_258 = arith.extui %sign3A_257 : vector<32x128xi1> to vector<32x128xi32>
    %sign3A_259 = arith.subi %sign3A_254, %sign3A_258 : vector<32x128xi32>
    %sign3A_260 = arith.constant 0 : i32
    %sign3A_261 = arith.cmpi sgt, %jit3A_248, %sign3A_260 : i32
    %sign3A_262 = arith.extui %sign3A_261 : i1 to i32
    %sign3A_263 = arith.constant 0 : i32
    %sign3A_264 = arith.cmpi slt, %jit3A_248, %sign3A_263 : i32
    %sign3A_265 = arith.extui %sign3A_264 : i1 to i32
    %sign3A_266 = arith.subi %sign3A_262, %sign3A_265 : i32
    %ne3A_267 = vector.broadcast %sign3A_266 : i32 to vector<32x128xi32>
    %ne3A_268 = arith.cmpi ne, %sign3A_259, %ne3A_267 : vector<32x128xi32>
    %rem3A_269 = vector.broadcast %jit3A_248 : i32 to vector<32x128xi32>
    %rem3A_270 = arith.remsi %iota3A, %rem3A_269 : vector<32x128xi32>
    %ne3A_271 = arith.constant 0 : i32
    %ne3A_272 = vector.broadcast %ne3A_271 : i32 to vector<32x128xi32>
    %ne3A_273 = arith.cmpi ne, %rem3A_270, %ne3A_272 : vector<32x128xi32>
    %and3A_274 = arith.andi %ne3A_268, %ne3A_273 : vector<32x128xi1>
    %sub3A_275 = arith.constant 1 : i32
    %sub3A_276 = vector.broadcast %sub3A_275 : i32 to vector<32x128xi32>
    %sub3A_277 = arith.subi %div3A_250, %sub3A_276 : vector<32x128xi32>
    %select_n3A_278 = arith.select %and3A_274, %sub3A_277, %div3A_250 : vector<32x128xi1>, vector<32x128xi32>
    %eq3A_279 = arith.constant 6 : i32
    %eq3A_280 = vector.broadcast %eq3A_279 : i32 to vector<32x128xi32>
    %eq3A_281 = arith.cmpi eq, %select_n3A_278, %eq3A_280 : vector<32x128xi32>
    %get3A_282 = arith.constant 6 : index
    %get3A_283 = arith.constant 0 : index
    %get3A_284 = vector.load %arg0[%get3A_282, %get3A_283] : memref<8x128xf32, #tpu.memory_space<vmem>>, vector<1x128xf32>
    %jit3A_285 = arith.constant 0.000000e+00 : f32
    %broadcast_in_dim3A_286 = vector.shape_cast %get3A_284 : vector<1x128xf32> to vector<1x128xf32>
    %broadcast_in_dim3A_287 = vector.broadcast %broadcast_in_dim3A_286 : vector<1x128xf32> to vector<32x128xf32>
    %broadcast_in_dim3A_288 = vector.broadcast %jit3A_285 : f32 to vector<32x128xf32>
    %select_n3A_289 = arith.select %eq3A_281, %broadcast_in_dim3A_287, %broadcast_in_dim3A_288 : vector<32x128xi1>, vector<32x128xf32>
    %add3A_290 = arith.addf %add3A_247, %select_n3A_289 : vector<32x128xf32>
    %jit3A_291 = arith.constant 4 : i32
    %div3A_292 = vector.broadcast %jit3A_291 : i32 to vector<32x128xi32>
    %div3A_293 = arith.divsi %iota3A, %div3A_292 : vector<32x128xi32>
    %sign3A_294 = arith.constant 0 : i32
    %sign3A_295 = vector.broadcast %sign3A_294 : i32 to vector<32x128xi32>
    %sign3A_296 = arith.cmpi sgt, %iota3A, %sign3A_295 : vector<32x128xi32>
    %sign3A_297 = arith.extui %sign3A_296 : vector<32x128xi1> to vector<32x128xi32>
    %sign3A_298 = arith.constant 0 : i32
    %sign3A_299 = vector.broadcast %sign3A_298 : i32 to vector<32x128xi32>
    %sign3A_300 = arith.cmpi slt, %iota3A, %sign3A_299 : vector<32x128xi32>
    %sign3A_301 = arith.extui %sign3A_300 : vector<32x128xi1> to vector<32x128xi32>
    %sign3A_302 = arith.subi %sign3A_297, %sign3A_301 : vector<32x128xi32>
    %sign3A_303 = arith.constant 0 : i32
    %sign3A_304 = arith.cmpi sgt, %jit3A_291, %sign3A_303 : i32
    %sign3A_305 = arith.extui %sign3A_304 : i1 to i32
    %sign3A_306 = arith.constant 0 : i32
    %sign3A_307 = arith.cmpi slt, %jit3A_291, %sign3A_306 : i32
    %sign3A_308 = arith.extui %sign3A_307 : i1 to i32
    %sign3A_309 = arith.subi %sign3A_305, %sign3A_308 : i32
    %ne3A_310 = vector.broadcast %sign3A_309 : i32 to vector<32x128xi32>
    %ne3A_311 = arith.cmpi ne, %sign3A_302, %ne3A_310 : vector<32x128xi32>
    %rem3A_312 = vector.broadcast %jit3A_291 : i32 to vector<32x128xi32>
    %rem3A_313 = arith.remsi %iota3A, %rem3A_312 : vector<32x128xi32>
    %ne3A_314 = arith.constant 0 : i32
    %ne3A_315 = vector.broadcast %ne3A_314 : i32 to vector<32x128xi32>
    %ne3A_316 = arith.cmpi ne, %rem3A_313, %ne3A_315 : vector<32x128xi32>
    %and3A_317 = arith.andi %ne3A_311, %ne3A_316 : vector<32x128xi1>
    %sub3A_318 = arith.constant 1 : i32
    %sub3A_319 = vector.broadcast %sub3A_318 : i32 to vector<32x128xi32>
    %sub3A_320 = arith.subi %div3A_293, %sub3A_319 : vector<32x128xi32>
    %select_n3A_321 = arith.select %and3A_317, %sub3A_320, %div3A_293 : vector<32x128xi1>, vector<32x128xi32>
    %eq3A_322 = arith.constant 7 : i32
    %eq3A_323 = vector.broadcast %eq3A_322 : i32 to vector<32x128xi32>
    %eq3A_324 = arith.cmpi eq, %select_n3A_321, %eq3A_323 : vector<32x128xi32>
    %get3A_325 = arith.constant 7 : index
    %get3A_326 = arith.constant 0 : index
    %get3A_327 = vector.load %arg0[%get3A_325, %get3A_326] : memref<8x128xf32, #tpu.memory_space<vmem>>, vector<1x128xf32>
    %jit3A_328 = arith.constant 0.000000e+00 : f32
    %broadcast_in_dim3A_329 = vector.shape_cast %get3A_327 : vector<1x128xf32> to vector<1x128xf32>
    %broadcast_in_dim3A_330 = vector.broadcast %broadcast_in_dim3A_329 : vector<1x128xf32> to vector<32x128xf32>
    %broadcast_in_dim3A_331 = vector.broadcast %jit3A_328 : f32 to vector<32x128xf32>
    %select_n3A_332 = arith.select %eq3A_324, %broadcast_in_dim3A_330, %broadcast_in_dim3A_331 : vector<32x128xi1>, vector<32x128xf32>
    %add3A_333 = arith.addf %add3A_290, %select_n3A_332 : vector<32x128xf32>
    %jit3A_334 = arith.constant 4 : i32
    %eq3A_335 = arith.constant 0 : i32
    %eq3A_336 = arith.cmpi eq, %jit3A_334, %eq3A_335 : i32
    %jit3A_337 = arith.constant 1 : i32
    %select_n3A_338 = arith.select %eq3A_336, %jit3A_337, %jit3A_334 : i32
    %rem3A_339 = vector.broadcast %select_n3A_338 : i32 to vector<32x128xi32>
    %rem3A_340 = arith.remsi %iota3A, %rem3A_339 : vector<32x128xi32>
    %ne3A_341 = arith.constant 0 : i32
    %ne3A_342 = vector.broadcast %ne3A_341 : i32 to vector<32x128xi32>
    %ne3A_343 = arith.cmpi ne, %rem3A_340, %ne3A_342 : vector<32x128xi32>
    %lt3A = arith.constant 0 : i32
    %lt3A_344 = vector.broadcast %lt3A : i32 to vector<32x128xi32>
    %lt3A_345 = arith.cmpi slt, %rem3A_340, %lt3A_344 : vector<32x128xi32>
    %lt3A_346 = arith.constant 0 : i32
    %lt3A_347 = arith.cmpi slt, %select_n3A_338, %lt3A_346 : i32
    %ne3A_348 = vector.broadcast %lt3A_347 : i1 to vector<32x128xi1>
    %ne3A_349 = vector.broadcast %ne3A_348 : vector<32x128xi1> to vector<32x128xi1>
    %ne3A_350 = arith.xori %lt3A_345, %ne3A_349 : vector<32x128xi1>
    %and3A_351 = arith.andi %ne3A_350, %ne3A_343 : vector<32x128xi1>
    %add3A_352 = vector.broadcast %select_n3A_338 : i32 to vector<32x128xi32>
    %add3A_353 = arith.addi %rem3A_340, %add3A_352 : vector<32x128xi32>
    %select_n3A_354 = arith.select %and3A_351, %add3A_353, %rem3A_340 : vector<32x128xi1>, vector<32x128xi32>
    %eq3A_355 = arith.constant 0 : i32
    %eq3A_356 = vector.broadcast %eq3A_355 : i32 to vector<32x128xi32>
    %eq3A_357 = arith.cmpi eq, %select_n3A_354, %eq3A_356 : vector<32x128xi32>
    %get3A_358 = arith.constant 0 : index
    %get3A_359 = arith.constant 0 : index
    %get3A_360 = vector.load %arg1[%get3A_358, %get3A_359] : memref<4x128xf32, #tpu.memory_space<vmem>>, vector<1x128xf32>
    %jit3A_361 = arith.constant 0.000000e+00 : f32
    %broadcast_in_dim3A_362 = vector.shape_cast %get3A_360 : vector<1x128xf32> to vector<1x128xf32>
    %broadcast_in_dim3A_363 = vector.broadcast %broadcast_in_dim3A_362 : vector<1x128xf32> to vector<32x128xf32>
    %broadcast_in_dim3A_364 = vector.broadcast %jit3A_361 : f32 to vector<32x128xf32>
    %select_n3A_365 = arith.select %eq3A_357, %broadcast_in_dim3A_363, %broadcast_in_dim3A_364 : vector<32x128xi1>, vector<32x128xf32>
    %add3A_366 = arith.addf %add3A_333, %select_n3A_365 : vector<32x128xf32>
    %jit3A_367 = arith.constant 4 : i32
    %eq3A_368 = arith.constant 0 : i32
    %eq3A_369 = arith.cmpi eq, %jit3A_367, %eq3A_368 : i32
    %jit3A_370 = arith.constant 1 : i32
    %select_n3A_371 = arith.select %eq3A_369, %jit3A_370, %jit3A_367 : i32
    %rem3A_372 = vector.broadcast %select_n3A_371 : i32 to vector<32x128xi32>
    %rem3A_373 = arith.remsi %iota3A, %rem3A_372 : vector<32x128xi32>
    %ne3A_374 = arith.constant 0 : i32
    %ne3A_375 = vector.broadcast %ne3A_374 : i32 to vector<32x128xi32>
    %ne3A_376 = arith.cmpi ne, %rem3A_373, %ne3A_375 : vector<32x128xi32>
    %lt3A_377 = arith.constant 0 : i32
    %lt3A_378 = vector.broadcast %lt3A_377 : i32 to vector<32x128xi32>
    %lt3A_379 = arith.cmpi slt, %rem3A_373, %lt3A_378 : vector<32x128xi32>
    %lt3A_380 = arith.constant 0 : i32
    %lt3A_381 = arith.cmpi slt, %select_n3A_371, %lt3A_380 : i32
    %ne3A_382 = vector.broadcast %lt3A_381 : i1 to vector<32x128xi1>
    %ne3A_383 = vector.broadcast %ne3A_382 : vector<32x128xi1> to vector<32x128xi1>
    %ne3A_384 = arith.xori %lt3A_379, %ne3A_383 : vector<32x128xi1>
    %and3A_385 = arith.andi %ne3A_384, %ne3A_376 : vector<32x128xi1>
    %add3A_386 = vector.broadcast %select_n3A_371 : i32 to vector<32x128xi32>
    %add3A_387 = arith.addi %rem3A_373, %add3A_386 : vector<32x128xi32>
    %select_n3A_388 = arith.select %and3A_385, %add3A_387, %rem3A_373 : vector<32x128xi1>, vector<32x128xi32>
    %eq3A_389 = arith.constant 1 : i32
    %eq3A_390 = vector.broadcast %eq3A_389 : i32 to vector<32x128xi32>
    %eq3A_391 = arith.cmpi eq, %select_n3A_388, %eq3A_390 : vector<32x128xi32>
    %get3A_392 = arith.constant 1 : index
    %get3A_393 = arith.constant 0 : index
    %get3A_394 = vector.load %arg1[%get3A_392, %get3A_393] : memref<4x128xf32, #tpu.memory_space<vmem>>, vector<1x128xf32>
    %jit3A_395 = arith.constant 0.000000e+00 : f32
    %broadcast_in_dim3A_396 = vector.shape_cast %get3A_394 : vector<1x128xf32> to vector<1x128xf32>
    %broadcast_in_dim3A_397 = vector.broadcast %broadcast_in_dim3A_396 : vector<1x128xf32> to vector<32x128xf32>
    %broadcast_in_dim3A_398 = vector.broadcast %jit3A_395 : f32 to vector<32x128xf32>
    %select_n3A_399 = arith.select %eq3A_391, %broadcast_in_dim3A_397, %broadcast_in_dim3A_398 : vector<32x128xi1>, vector<32x128xf32>
    %add3A_400 = arith.addf %add3A_366, %select_n3A_399 : vector<32x128xf32>
    %jit3A_401 = arith.constant 4 : i32
    %eq3A_402 = arith.constant 0 : i32
    %eq3A_403 = arith.cmpi eq, %jit3A_401, %eq3A_402 : i32
    %jit3A_404 = arith.constant 1 : i32
    %select_n3A_405 = arith.select %eq3A_403, %jit3A_404, %jit3A_401 : i32
    %rem3A_406 = vector.broadcast %select_n3A_405 : i32 to vector<32x128xi32>
    %rem3A_407 = arith.remsi %iota3A, %rem3A_406 : vector<32x128xi32>
    %ne3A_408 = arith.constant 0 : i32
    %ne3A_409 = vector.broadcast %ne3A_408 : i32 to vector<32x128xi32>
    %ne3A_410 = arith.cmpi ne, %rem3A_407, %ne3A_409 : vector<32x128xi32>
    %lt3A_411 = arith.constant 0 : i32
    %lt3A_412 = vector.broadcast %lt3A_411 : i32 to vector<32x128xi32>
    %lt3A_413 = arith.cmpi slt, %rem3A_407, %lt3A_412 : vector<32x128xi32>
    %lt3A_414 = arith.constant 0 : i32
    %lt3A_415 = arith.cmpi slt, %select_n3A_405, %lt3A_414 : i32
    %ne3A_416 = vector.broadcast %lt3A_415 : i1 to vector<32x128xi1>
    %ne3A_417 = vector.broadcast %ne3A_416 : vector<32x128xi1> to vector<32x128xi1>
    %ne3A_418 = arith.xori %lt3A_413, %ne3A_417 : vector<32x128xi1>
    %and3A_419 = arith.andi %ne3A_418, %ne3A_410 : vector<32x128xi1>
    %add3A_420 = vector.broadcast %select_n3A_405 : i32 to vector<32x128xi32>
    %add3A_421 = arith.addi %rem3A_407, %add3A_420 : vector<32x128xi32>
    %select_n3A_422 = arith.select %and3A_419, %add3A_421, %rem3A_407 : vector<32x128xi1>, vector<32x128xi32>
    %eq3A_423 = arith.constant 2 : i32
    %eq3A_424 = vector.broadcast %eq3A_423 : i32 to vector<32x128xi32>
    %eq3A_425 = arith.cmpi eq, %select_n3A_422, %eq3A_424 : vector<32x128xi32>
    %get3A_426 = arith.constant 2 : index
    %get3A_427 = arith.constant 0 : index
    %get3A_428 = vector.load %arg1[%get3A_426, %get3A_427] : memref<4x128xf32, #tpu.memory_space<vmem>>, vector<1x128xf32>
    %jit3A_429 = arith.constant 0.000000e+00 : f32
    %broadcast_in_dim3A_430 = vector.shape_cast %get3A_428 : vector<1x128xf32> to vector<1x128xf32>
    %broadcast_in_dim3A_431 = vector.broadcast %broadcast_in_dim3A_430 : vector<1x128xf32> to vector<32x128xf32>
    %broadcast_in_dim3A_432 = vector.broadcast %jit3A_429 : f32 to vector<32x128xf32>
    %select_n3A_433 = arith.select %eq3A_425, %broadcast_in_dim3A_431, %broadcast_in_dim3A_432 : vector<32x128xi1>, vector<32x128xf32>
    %add3A_434 = arith.addf %add3A_400, %select_n3A_433 : vector<32x128xf32>
    %jit3A_435 = arith.constant 4 : i32
    %eq3A_436 = arith.constant 0 : i32
    %eq3A_437 = arith.cmpi eq, %jit3A_435, %eq3A_436 : i32
    %jit3A_438 = arith.constant 1 : i32
    %select_n3A_439 = arith.select %eq3A_437, %jit3A_438, %jit3A_435 : i32
    %rem3A_440 = vector.broadcast %select_n3A_439 : i32 to vector<32x128xi32>
    %rem3A_441 = arith.remsi %iota3A, %rem3A_440 : vector<32x128xi32>
    %ne3A_442 = arith.constant 0 : i32
    %ne3A_443 = vector.broadcast %ne3A_442 : i32 to vector<32x128xi32>
    %ne3A_444 = arith.cmpi ne, %rem3A_441, %ne3A_443 : vector<32x128xi32>
    %lt3A_445 = arith.constant 0 : i32
    %lt3A_446 = vector.broadcast %lt3A_445 : i32 to vector<32x128xi32>
    %lt3A_447 = arith.cmpi slt, %rem3A_441, %lt3A_446 : vector<32x128xi32>
    %lt3A_448 = arith.constant 0 : i32
    %lt3A_449 = arith.cmpi slt, %select_n3A_439, %lt3A_448 : i32
    %ne3A_450 = vector.broadcast %lt3A_449 : i1 to vector<32x128xi1>
    %ne3A_451 = vector.broadcast %ne3A_450 : vector<32x128xi1> to vector<32x128xi1>
    %ne3A_452 = arith.xori %lt3A_447, %ne3A_451 : vector<32x128xi1>
    %and3A_453 = arith.andi %ne3A_452, %ne3A_444 : vector<32x128xi1>
    %add3A_454 = vector.broadcast %select_n3A_439 : i32 to vector<32x128xi32>
    %add3A_455 = arith.addi %rem3A_441, %add3A_454 : vector<32x128xi32>
    %select_n3A_456 = arith.select %and3A_453, %add3A_455, %rem3A_441 : vector<32x128xi1>, vector<32x128xi32>
    %eq3A_457 = arith.constant 3 : i32
    %eq3A_458 = vector.broadcast %eq3A_457 : i32 to vector<32x128xi32>
    %eq3A_459 = arith.cmpi eq, %select_n3A_456, %eq3A_458 : vector<32x128xi32>
    %get3A_460 = arith.constant 3 : index
    %get3A_461 = arith.constant 0 : index
    %get3A_462 = vector.load %arg1[%get3A_460, %get3A_461] : memref<4x128xf32, #tpu.memory_space<vmem>>, vector<1x128xf32>
    %jit3A_463 = arith.constant 0.000000e+00 : f32
    %broadcast_in_dim3A_464 = vector.shape_cast %get3A_462 : vector<1x128xf32> to vector<1x128xf32>
    %broadcast_in_dim3A_465 = vector.broadcast %broadcast_in_dim3A_464 : vector<1x128xf32> to vector<32x128xf32>
    %broadcast_in_dim3A_466 = vector.broadcast %jit3A_463 : f32 to vector<32x128xf32>
    %select_n3A_467 = arith.select %eq3A_459, %broadcast_in_dim3A_465, %broadcast_in_dim3A_466 : vector<32x128xi1>, vector<32x128xf32>
    %add3A_468 = arith.addf %add3A_434, %select_n3A_467 : vector<32x128xf32>
    %swap3A = arith.constant 0 : index
    %swap3A_469 = arith.constant 0 : index
    %swap3A_470 = vector.load %arg2[%swap3A, %swap3A_469] : memref<32x128xf32, #tpu.memory_space<vmem>>, vector<32x128xf32>
    tpu.vector_store %arg2[%swap3A, %swap3A_469], %add3A_468 {strides = array<i32>} : memref<32x128xf32, #tpu.memory_space<vmem>>, vector<32x128xf32>,
    return
  }
}

module attributes {stable_mosaic.version = 14 : i64} {
  func.func @_nodesum_body(%arg0: i32, %arg1: memref<2000x128xf32, #tpu.memory_space<vmem>>, %arg2: memref<1x1x2000xi32, #tpu.memory_space<vmem>>, %arg3: memref<1x1x2000xi32, #tpu.memory_space<vmem>>, %arg4: memref<104x128xf32, #tpu.memory_space<vmem>>, %arg5: memref<24x128xf32, #tpu.memory_space<vmem>>, %arg6: memref<2000x128xf32, #tpu.memory_space<vmem>>) attributes {dimension_semantics = [#tpu.dimension_semantics<arbitrary>], iteration_bounds = array<i64: 5>, scalar_prefetch = 0 : i64, scratch_operands = 0 : i64, tpu.core_type = #tpu.core_type<tc>, window_params = [{transform_indices = @transform_0, window_bounds = array<i64: 2000, 128>}, {transform_indices = @transform_1, window_bounds = array<i64: 1, 1, 2000>}, {transform_indices = @transform_2, window_bounds = array<i64: 1, 1, 2000>}, {pipeline_mode = #tpu.pipeline_mode<synchronous>, transform_indices = @transform_3, window_bounds = array<i64: 104, 128>}, {pipeline_mode = #tpu.pipeline_mode<synchronous>, transform_indices = @transform_4, window_bounds = array<i64: 24, 128>}, {transform_indices = @transform_5, window_bounds = array<i64: 2000, 128>}]} {
    %get3A = arith.constant 0 : index
    %get3A_0 = arith.constant 0 : index
    %get3A_1 = arith.constant 0 : index
    %get3A_2 = vector.load %arg2[%get3A, %get3A_0, %get3A_1] : memref<1x1x2000xi32, #tpu.memory_space<vmem>>, vector<1x1x2000xi32>
    %get3A_3 = vector.shape_cast %get3A_2 : vector<1x1x2000xi32> to vector<1x2000xi32>
    %get3A_4 = arith.constant 0 : index
    %get3A_5 = arith.constant 0 : index
    %get3A_6 = arith.constant 0 : index
    %get3A_7 = vector.load %arg3[%get3A_4, %get3A_5, %get3A_6] : memref<1x1x2000xi32, #tpu.memory_space<vmem>>, vector<1x1x2000xi32>
    %get3A_8 = vector.shape_cast %get3A_7 : vector<1x1x2000xi32> to vector<1x2000xi32>
    %min3A = arith.constant 20 : i32
    %min3A_9 = vector.broadcast %min3A : i32 to vector<1x2000xi32>
    %min3A_10 = arith.minsi %get3A_8, %min3A_9 : vector<1x2000xi32>
    %iota3A = tpu.iota {dimensions = array<i32: 0>} : vector<104x2000xi32>
    %eq3A = vector.broadcast %get3A_3 : vector<1x2000xi32> to vector<104x2000xi32>
    %eq3A_11 = arith.cmpi eq, %iota3A, %eq3A : vector<104x2000xi32>
    %convert_element_type3A = arith.extui %eq3A_11 : vector<104x2000xi1> to vector<104x2000xi32>
    %convert_element_type3A_12 = arith.sitofp %convert_element_type3A : vector<104x2000xi32> to vector<104x2000xf32>
    %iota3A_13 = tpu.iota {dimensions = array<i32: 0>} : vector<24x2000xi32>
    %eq3A_14 = vector.broadcast %min3A_10 : vector<1x2000xi32> to vector<24x2000xi32>
    %eq3A_15 = arith.cmpi eq, %iota3A_13, %eq3A_14 : vector<24x2000xi32>
    %convert_element_type3A_16 = arith.extui %eq3A_15 : vector<24x2000xi1> to vector<24x2000xi32>
    %convert_element_type3A_17 = arith.sitofp %convert_element_type3A_16 : vector<24x2000xi32> to vector<24x2000xf32>
    %get3A_18 = arith.constant 0 : index
    %get3A_19 = arith.constant 0 : index
    %get3A_20 = vector.load %arg4[%get3A_18, %get3A_19] : memref<104x128xf32, #tpu.memory_space<vmem>>, vector<104x128xf32>
    %dot_general3A = arith.constant dense<0.000000e+00> : vector<2000x128xf32>
    %dot_general3A_21 = tpu.matmul %convert_element_type3A_12, %get3A_20, %dot_general3A {dimension_numbers = #tpu.dot_dimension_numbers<[0], [0], [1], [1], [0, 1, 1, 1], [], []>, precision = #tpu.contract_precision<fp32>, transpose_lhs_hint = false} : vector<104x2000xf32>, vector<104x128xf32>, vector<2000x128xf32> -> vector<2000x128xf32>
    %get3A_22 = arith.constant 0 : index
    %get3A_23 = arith.constant 0 : index
    %get3A_24 = vector.load %arg5[%get3A_22, %get3A_23] : memref<24x128xf32, #tpu.memory_space<vmem>>, vector<24x128xf32>
    %dot_general3A_25 = arith.constant dense<0.000000e+00> : vector<2000x128xf32>
    %dot_general3A_26 = tpu.matmul %convert_element_type3A_17, %get3A_24, %dot_general3A_25 {dimension_numbers = #tpu.dot_dimension_numbers<[0], [0], [1], [1], [0, 1, 1, 1], [], []>, precision = #tpu.contract_precision<fp32>, transpose_lhs_hint = false} : vector<24x2000xf32>, vector<24x128xf32>, vector<2000x128xf32> -> vector<2000x128xf32>
    %get3A_27 = arith.constant 0 : index
    %get3A_28 = arith.constant 0 : index
    %get3A_29 = vector.load %arg1[%get3A_27, %get3A_28] : memref<2000x128xf32, #tpu.memory_space<vmem>>, vector<2000x128xf32>
    %add3A = arith.addf %get3A_29, %dot_general3A_21 : vector<2000x128xf32>
    %add3A_30 = arith.addf %add3A, %dot_general3A_26 : vector<2000x128xf32>
    %swap3A = arith.constant 0 : index
    %swap3A_31 = arith.constant 0 : index
    %swap3A_32 = vector.load %arg6[%swap3A, %swap3A_31] : memref<2000x128xf32, #tpu.memory_space<vmem>>, vector<2000x128xf32>
    tpu.vector_store %arg6[%swap3A, %swap3A_31], %add3A_30 {strides = array<i32>} : memref<2000x128xf32, #tpu.memory_space<vmem>>, vector<2000x128xf32>,
    return
  }
  func.func @transform_0(%arg0: i32) -> (i32, i32) {
    %c0_i32 = arith.constant 0 : i32
    %c0_i32_0 = arith.constant 0 : i32
    return %arg0, %c0_i32 : i32, i32
  }
  func.func @transform_1(%arg0: i32) -> (i32, i32, i32) {
    %c0_i32 = arith.constant 0 : i32
    %c0_i32_0 = arith.constant 0 : i32
    %c0_i32_1 = arith.constant 0 : i32
    return %arg0, %c0_i32, %c0_i32_0 : i32, i32, i32
  }
  func.func @transform_2(%arg0: i32) -> (i32, i32, i32) {
    %c0_i32 = arith.constant 0 : i32
    %c0_i32_0 = arith.constant 0 : i32
    %c0_i32_1 = arith.constant 0 : i32
    return %arg0, %c0_i32, %c0_i32_0 : i32, i32, i32
  }
  func.func @transform_3(%arg0: i32) -> (i32, i32) {
    %c0_i32 = arith.constant 0 : i32
    %c0_i32_0 = arith.constant 0 : i32
    %c0_i32_1 = arith.constant 0 : i32
    return %c0_i32, %c0_i32_0 : i32, i32
  }
  func.func @transform_4(%arg0: i32) -> (i32, i32) {
    %c0_i32 = arith.constant 0 : i32
    %c0_i32_0 = arith.constant 0 : i32
    %c0_i32_1 = arith.constant 0 : i32
    return %c0_i32, %c0_i32_0 : i32, i32
  }
  func.func @transform_5(%arg0: i32) -> (i32, i32) {
    %c0_i32 = arith.constant 0 : i32
    %c0_i32_0 = arith.constant 0 : i32
    return %arg0, %c0_i32 : i32, i32
  }
}

</mosaic_0001>

<sc_bundles>
// kernel: kernel.5.cloned.1.call-start
scs
__scs_entry_jumppad:
0x0: {  	(pc) =	sbr.rel $0x88, $3  }
0x1: {  	(tag) =	ssettag $0x0;
	lr =	simm.s32 $0x1  }
0x2: {  	[smem:$0x3F98] =	sst lr;
	_ =	strace $0xD0000000  }
0x3: {  	_ = 	snop  }
0x4: {  	_ = 	snop  }
0x5: {  	_ = 	snop  }
0x6: {  	_ = 	snop  }
0x7: {  	_ = 	snop  }
__scs_overlays_trampoline_lowered:
0x8: {  	[smem:$0x3FA7] =	sst s0  }
0x9: {  	[smem:$0x3FA8] =	sst s1  }
0xa: {  	[smem:$0x3FA9] =	sst s2  }
0xb: {  	[smem:$0x3FAA] =	sst s3  }
0xc: {  	[smem:$0x3FAB] =	sst s4  }
0xd: {  	[smem:$0x3FAC] =	sst s5  }
0xe: {  	[smem:$0x3FAD] =	sst s6  }
0xf: {  	[smem:$0x3FAE] =	sst s7  }
0x10: {  	[smem:$0x3FAF] =	sst s8  }
0x11: {  	[smem:$0x3FB0] =	sst s9;
	s0 =	simm.s32 @!p0 $0x0  }
0x12: {  	s1 =	sld [smem:$0x3F96];
	s0 =	simm.s32 @p0 $0x1  }
0x13: {  	[smem:$0x3FB1] =	sst s0;
	s0 =	simm.s32 @!p1 $0x0  }
0x14: {  	s2 =	sld [smem:$0x3F95];
	s0 =	simm.s32 @p1 $0x1  }
0x15: {  	[smem:$0x3FB2] =	sst s0;
	s0 =	simm.s32 @!p2 $0x0  }
0x16: {  	s3 =	sld [smem:$0x3FDB];
	s0 =	simm.s32 @p2 $0x1  }
0x17: {  	s4 =	simm.s32 $0x1BF5;
	[smem:$0x3FB4] =	sst s0  }
0x18: {  	s0 =	sld [smem:$0x3F97];
	_ =	swait.ge [sflag:s4], $0x0  }
0x19: {  	s7 =	sld [smem:$0x3F98]  }
0x1a: {  	s8 =	sadd.s32 $0xFFFFE003, lr  }
0x1b: {  	s9 =	sadd.s32 $0xFFFFFEF7, lr;
	s5 =	simm.s32 $0xFFFFFFFF;
	p2 =	slt.u32 s8, $0xFFFFF086  }
0x1c: {  	p1 =	slt.u32 s9, $0xF7A;
	s5 =	simm.s32 @!p2 $0x0  }
0x1d: {  	s5 =	simm.s32 @p1 $0x1;
	p0 =	seq.s32 s7, s2  }
0x1e: {  	s7 =	smul.u32 @!p0 $0xF7A, s2;
	p2 =	seq.s32 @!p0 s5, $0x0  }
0x1f: {  	s9 =	smul.u32 $0xF7A, s1;
	s8 =	simm.s32 @!p0 $0x1BF5;
	p2 =	por !p2, p0  }
0x20: {  	[sflag:s8] =	ssyncset.s32 @!p0 $0xFFFFF086;
	s6 =	sadd.s32 @!p0 s3, s7;
	s7 =	simm.s32 @!p0 $0x108  }
0x21: {  	s3 =	sadd.s32 s3, s9;
	s6 =	sadd.s32 @!p0 $0x88, s6;
	s7 =	simm.s32 @p2 $0x1082  }
0x22: {  	[simem:s7], [sflag:s8] =	dma.local @!p0 [hbm:s6], $0xF7A  }
0x23: {  	s9 =	sor.u32 $0xD0000000, s2;
	s6 =	simm.s32 $0x108;
	_ =	swait.ge @!p0 [sflag:s8], $0x0  }
0x24: {  	s3 =	sadd.s32 $0x88, s3;
	s6 =	simm.s32 @!p1 $0x1082;
	[sflag:s4] =	ssyncset.s32 $0xFFFFF086  }
0x25: {  	[simem:s6], [sflag:s4] =	dma.local [hbm:s3], $0xF7A  }
0x26: {  	[smem:$0x3F98] =	sst s1;
	(tag) =	ssettag s2;
	_ =	strace s9  }
0x27: {  	s1 =	sld [smem:$0x3FA8]  }
0x28: {  	s2 =	sld [smem:$0x3FA9]  }
0x29: {  	s4 =	sld [smem:$0x3FAB]  }
0x2a: {  	p0 =	seq.s32 s5, $0x0;
	s5 =	sld [smem:$0x3FAC]  }
0x2b: {  	s6 =	sld [smem:$0x3FAD]  }
0x2c: {  	s7 =	sld [smem:$0x3FAE]  }
0x2d: {  	s3 =	simm.s32 $0x108;
	s8 =	sld [smem:$0x3FAF]  }
0x2e: {  	s3 =	simm.s32 @!p0 $0x1082;
	s9 =	sld [smem:$0x3FB0]  }
0x2f: {  	lr =	sadd.s32 s0, s3;
	s0 =	sld [smem:$0x3FA7]  }
0x30: {  	s3 =	sld [smem:$0x3FAA]  }
0x31: {  	[smem:$0x3FB3] =	sst s10  }
0x32: {  	s10 =	sld [smem:$0x3FB1];
	_ =	sdelay $0x3  }
0x33: {  	p0 =	seq.s32 s10, $0x1;
	s10 =	sld [smem:$0x3FB3];
	_ =	sdelay $0x3  }
0x34: {  	[smem:$0x3FB3] =	sst s10  }
0x35: {  	s10 =	sld [smem:$0x3FB2];
	_ =	sdelay $0x3  }
0x36: {  	p1 =	seq.s32 s10, $0x1;
	s10 =	sld [smem:$0x3FB3];
	_ =	sdelay $0x3  }
0x37: {  	[smem:$0x3FB3] =	sst s10  }
0x38: {  	s10 =	sld [smem:$0x3FB4]  }
0x39: {  	_ = 	snop;
	(pc) =	sbr.ind lr, $3  }
0x3a: {  	_ = 	snop  }
0x3b: {  	_ = 	snop  }
0x3c: {  	p2 =	seq.s32 s10, $0x1;
	s10 =	sld [smem:$0x3FB3]  }
0x3d: {  	_ =	shalt  }
0x3e: {  	_ =	shalt  }
0x3f: {  	_ =	shalt  }
0x40: {  	_ =	shalt  }
0x41: {  	_ =	shalt  }
0x42: {  	_ =	shalt  }
0x43: {  	_ =	shalt  }
0x44: {  	_ =	shalt  }
0x45: {  	_ =	shalt  }
0x46: {  	_ =	shalt  }
0x47: {  	_ =	shalt  }
0x48: {  	_ =	shalt  }
0x49: {  	_ =	shalt  }
0x4a: {  	_ =	shalt  }
0x4b: {  	_ =	shalt  }
0x4c: {  	_ =	shalt  }
0x4d: {  	_ =	shalt  }
0x4e: {  	_ =	shalt  }
0x4f: {  	_ =	shalt  }
0x50: {  	_ =	shalt  }
0x51: {  	_ =	shalt  }
0x52: {  	_ =	shalt  }
0x53: {  	_ =	shalt  }
0x54: {  	_ =	shalt  }
0x55: {  	_ =	shalt  }
0x56: {  	_ =	shalt  }
0x57: {  	_ =	shalt  }
0x58: {  	_ =	shalt  }
0x59: {  	_ =	shalt  }
0x5a: {  	_ =	shalt  }
0x5b: {  	_ =	shalt  }
0x5c: {  	_ =	shalt  }
0x5d: {  	_ =	shalt  }
0x5e: {  	_ =	shalt  }
0x5f: {  	_ =	shalt  }
0x60: {  	_ =	shalt  }
0x61: {  	_ =	shalt  }
0x62: {  	_ =	shalt  }
0x63: {  	_ =	shalt  }
0x64: {  	_ =	shalt  }
0x65: {  	_ =	shalt  }
0x66: {  	_ =	shalt  }
0x67: {  	_ =	shalt  }
0x68: {  	_ =	shalt  }
0x69: {  	_ =	shalt  }
0x6a: {  	_ =	shalt  }
0x6b: {  	_ =	shalt  }
0x6c: {  	_ =	shalt  }
0x6d: {  	_ =	shalt  }
0x6e: {  	_ =	shalt  }
0x6f: {  	_ =	shalt  }
0x70: {  	_ =	shalt  }
0x71: {  	_ =	shalt  }
0x72: {  	_ =	shalt  }
0x73: {  	_ =	shalt  }
0x74: {  	_ =	shalt  }
0x75: {  	_ =	shalt  }
0x76: {  	_ =	shalt  }
0x77: {  	_ =	shalt  }
0x78: {  	_ =	shalt  }
0x79: {  	_ =	shalt  }
0x7a: {  	_ =	shalt  }
0x7b: {  	_ =	shalt  }
0x7c: {  	_ =	shalt  }
0x7d: {  	_ =	shalt  }
0x7e: {  	_ =	shalt  }
0x7f: {  	_ =	shalt  }
0x80: {  	_ =	shalt  }
0x81: {  	_ =	shalt  }
0x82: {  	_ =	shalt  }
0x83: {  	_ =	shalt  }
0x84: {  	_ =	shalt  }
0x85: {  	_ =	shalt  }
0x86: {  	_ =	shalt  }
0x87: {  	_ =	shalt  }
.Lfunc_end0:
.L_simem_size_0:
called_computation_lowered:
.L_overlay_start_0:
0x88: {  	s2 =	sld [smem:$0x3FD9]  }
0x89: {  	s3 =	sld [smem:$0x3FFE];
	_ =	sdelay $0x1  }
0x8a: {  	s1 =	srdreg.scid  }
0x8b: {  	s0 =	sand.u32 $0x1, s1  }
0x8c: {  	s14 =	sshll.u32 s0, $0xA;
	s2 =	sadd.s32 s3, s2  }
0x8d: {  	s2 =	sadd.s32 s2, s14  }
0x8e: {  	[smem:$0x3FBF] =	sst s2  }
0x8f: {  	_ = 	snop  }
0x90: {  	s2 =	sld [smem:$0x3FD0]  }
0x91: {  	s15 =	sld [smem:$0x3FC7]  }
0x92: {  	s4 =	sld [smem:$0x3FC6]  }
0x93: {  	s6 =	simm.s32 $0xA;
	s7 =	simm.s32 $0x10;
	s5 =	sld [smem:$0x3FC4]  }
0x94: {  	[smem:s7], [sflag:s6] =	dma.local [hbm:s2], $0x1  }
0x95: {  	_ =	swait.eq [sflag:s6], $0x1  }
0x96: {  	[sflag:s6] =	ssyncset.done $0x0  }
0x97: {  	s16 =	sld [smem:$0x10];
	[sflag:s6] =	ssyncadd.s32 $0xFFFFFFFF  }
0x98: {  	s17 =	sld [smem:$0x11];
	(tm) =	ssettm $0x1  }
0x99: {  	s18 =	sld [smem:$0x3FFB];
	_ =	sdelay $0x3  }
0x9a: {  	_ =	strace s18  }
0x9b: {  	s7 =	sld [smem:$0x3FFC];
	_ =	sdelay $0x3  }
0x9c: {  	_ =	strace s7  }
0x9d: {  	s7 =	sld [smem:$0x3FFD];
	_ =	sdelay $0x3  }
0x9e: {  	_ =	strace s7  }
0x9f: {  	_ =	strace $0x8FFFFFFF  }
0xa0: {  	s19 =	sld [smem:$0x3FDB];
	_ =	sdelay $0x1  }
0xa1: {  	s8 =	simm.s32 $_scs_section_size  }
0xa2: {  	s9 =	simm.s32 $_size__tile_overlayer_lowered;
	s10 =	simm.s32 $_tile_overlayer_lowered  }
0xa3: {  	s22 =	simm.s32 $0x1BFF;
	s21 =	sshll.u32 s10, $0x1;
	s7 =	sadd.s32 s8, s19  }
0xa4: {  	s11 =	simm.s32 $0x0;
	s20 =	sshll.u32 s9, $0x1;
	s9 =	sadd.s32 s21, s7  }
0xa5: {  	[timem:s11], [sflag:s22] =	dma.local [hbm:s9], s20  }
0xa6: {  	_ =	swait.ge [sflag:s22], s20  }
0xa7: {  	s8 =	ssub.s32 $0x0, s20;
	[sflag:s22] =	ssyncset.done $0x0  }
0xa8: {  	[sflag:s22] =	ssyncadd.s32 s8;
	_ =	sdelay $0x1  }
0xa9: {  	s23 =	simm.s32 $0x1B8B  }
0xaa: {  	_ =	swait.ge [sflag:s23], $0x1  }
0xab: {  	[sflag:s23] =	ssyncset.done $0x0  }
0xac: {  	s25 =	simm.s32 $0x1B8E;
	s24 =	sld [smem:$0x3FFE];
	[sflag:s23] =	ssyncadd.s32 $0xFFFFFFFF  }
0xad: {  	s26 =	simm.s32 $execute0_lowered;
	[smem:$0x3FD2] =	sst s25  }
0xae: {  	s9 =	sshll.u32 s26, $0x1;
	_ =	strace $0x80000046;
	[dreg:$0x1] =	wrdreg $0xFFFFFFFF  }
0xaf: {  	s28 =	simm.s32 $_size_execute0_lowered;
	s7 =	sadd.s32 s7, s9;
	[dreg:$0x0] =	wrdreg $0x0  }
0xb0: {  	s9 =	sshll.u32 s28, $0x1;
	[dreg:$0x2] =	wrdreg s7  }
0xb1: {  	[dreg:$0x3] =	wrdreg s9  }
0xb2: {  	[dreg:$0x4] =	wrdreg $0xC0  }
0xb3: {  	_ =	task [dreg:s11], $0x5FFFF  }
0xb4: {  	[dreg:$0x1] =	wrdreg $0xFFFFFFFF  }
0xb5: {  	[dreg:$0x0] =	wrdreg $0x60  }
0xb6: {  	[dreg:$0x2] =	wrdreg s15  }
0xb7: {  	[dreg:$0x3] =	wrdreg s4  }
0xb8: {  	[dreg:$0x4] =	wrdreg s24  }
0xb9: {  	[dreg:$0x5] =	wrdreg s16  }
0xba: {  	[dreg:$0x6] =	wrdreg s5  }
0xbb: {  	[dreg:$0x7] =	wrdreg s17  }
0xbc: {  	[dreg:$0x8] =	wrdreg $0x1F4800  }
0xbd: {  	[dreg:$0x9] =	wrdreg $0x9  }
0xbe: {  	_ =	task.clear_ibuf [dreg:s11], $0xAFFFF;
	_ =	strace $0x90000046  }
0xbf: {  	s29 =	simm.s32 $0x9;
	_ =	strace $0x80000048  }
0xc0: {  	_ =	swait.ge [sflag:s29], $0x1  }
0xc1: {  	[sflag:s29] =	ssyncadd.s32 $0xFFFFFFFF  }
0xc2: {  	_ =	strace $0x90000048  }
0xc3: {  	_ =	sfence  }
0xc4: {  	s30 =	sld [smem:$0x0];
	_ =	sdelay $0x2  }
0xc5: {  	s31 =	sshll.u32 s1, $0xD;
	s1 =	sshrl.u32 s1, $0x2  }
0xc6: {  	s3 =	sand.u32 $0x4000, s31;
	s1 =	sadd.s32 s1, s30  }
0xc7: {  	s0 =	sor.u32 s3, s0;
	s1 =	sshll.u32 s1, $0x11  }
0xc8: {  	s0 =	sor.u32 s1, s0  }
0xc9: {  	s0 =	sadd.s32 $0x8F2B, s0  }
0xca: {  	[sflag:s0] =	ssyncadd.remote.s32 $0x1  }
0xcb: {  	_ =	sfence.sel $0xFFFF  }
0xcc: {  	[dreg:$0x0] =	wrdreg $0xFFFFFFFF;
	(pc) =	sbr.abs _section_cstart, $3  }
0xcd: {  	[dreg:$0x1] =	wrdreg $0xFFFFFFFF  }
0xce: {  	_ =	task.clear_ibuf [dreg:s11], $0x2FFFF;
	_ =	strace $0x9FFFFFFF  }
0xcf: {  	(tm) =	ssettm $0x7FFFFFFF  }
tec
execute0_lowered:
.L_overlay_start_1:
0x0: {  	(tag) =	ssettag $0x1  }
0x1: {  	s0 =	rddreg [dreg:$0x0]  }
0x2: {  	s1 =	rddreg [dreg:$0x1]  }
0x3: {  	s5 =	rddreg [dreg:$0x2]  }
0x4: {  	s6 =	rddreg [dreg:$0x3]  }
0x5: {  	s2 =	rddreg [dreg:$0x5]  }
0x6: {  	s3 =	rddreg [dreg:$0x6];
	s7 =	srdreg.scid  }
0x7: {  	s8 =	stileid.u32;
	s4 =	simm.s32 $0x0;
	s30 =	simm.s32 $0x500  }
0x8: {  	s31 =	simm.s32 $0x100;
	s7 =	sand.u32 $0x1, s7;
	s9 =	sshll.u32 s8, $0x1  }
0x9: {  	[smem:$0x7FF] =	sst s4;
	s11 =	sadd.s32 $0x800, s5;
	s23 =	smul.u32 $0x270000, s8  }
0xa: {  	s9 =	sor.u32 s7, s9;
	s12 =	ssub.s32 $0x2, s7;
	s7 =	smul.u32 $0x138000, s7  }
0xb: {  	p0 =	sne.s32 s8, $0x0;
	s8 =	simm.s32 $0xB480;
	s10 =	smul.u32 $0x2700, s9  }
0xc: {  	_ =	strace $0x80000047;
	[dreg:$0x8] =	wrdreg s11;
	s14 =	smul.u32 $0x30, s9  }
0xd: {  	s16 =	smul.u32 $0x1800, s9;
	s13 =	sshrl.u32 s12, $0x1;
	p1 =	sne.s32 s9, $0x1F  }
0xe: {  	s11 =	ssub.s32 s12, s13;
	s10 =	sshrl.u32 s10, $0x3;
	s6 =	sadd.s32 s6, s14  }
0xf: {  	s5 =	sadd.s32 s16, s5;
	s17 =	sadd.s32 $0x9C, s10;
	[dreg:$0x9] =	wrdreg s6  }
0x10: {  	s19 =	sadd.s32 $0x138, s10;
	s21 =	sadd.s32 $0x1D4, s10;
	s18 =	sadd.s32 s0, s17  }
0x11: {  	s24 =	sadd.s32 $0x270, s10;
	s12 =	sadd.s32 s1, s17;
	[dreg:$0xa] =	wrdreg s18  }
0x12: {  	s26 =	sadd.s32 $0x30C, s10;
	s20 =	sadd.s32 s0, s19;
	[dreg:$0xb] =	wrdreg s12  }
0x13: {  	s14 =	sadd.s32 $0x3A8, s10;
	s6 =	sadd.s32 s1, s19;
	[dreg:$0xc] =	wrdreg s20  }
0x14: {  	s16 =	sadd.s32 $0x444, s10;
	s22 =	sadd.s32 s0, s21;
	[dreg:$0xd] =	wrdreg s6  }
0x15: {  	s25 =	sadd.s32 s0, s24;
	s29 =	sadd.s32 s0, s26;
	[dreg:$0xe] =	wrdreg s22  }
0x16: {  	s15 =	sadd.s32 s0, s14;
	s19 =	sadd.s32 s0, s10;
	[dreg:$0x10] =	wrdreg s25  }
0x17: {  	s17 =	smul.u32 $0x138000, s9;
	s9 =	simm.s32 $0x4;
	[dreg:$0x12] =	wrdreg s29  }
0x18: {  	s12 =	sadd.s32 s1, s21;
	s6 =	sadd.s32 s7, s23;
	[dreg:$0x14] =	wrdreg s15  }
0x19: {  	s7 =	sadd.s32 s1, s14;
	s20 =	sadd.s32 s1, s10;
	s21 =	sadd.s32 s0, s16  }
0x1a: {  	s22 =	sadd.s32 s1, s16;
	s0 =	sadd.s32 $0x9C00, s0;
	[dreg:$0xf] =	wrdreg s12  }
0x1b: {  	s18 =	sadd.s32 $0x9C00, s1;
	s25 =	sadd.s32 $0xA00, s5;
	[dreg:$0x15] =	wrdreg s7  }
0x1c: {  	s29 =	sadd.s32 $0x4E1000, s2;
	s5 =	simm.s32 $0x3480;
	[dreg:$0x16] =	wrdreg s0  }
0x1d: {  	s10 =	simm.s32 $0x5;
	s12 =	sadd.s32 s1, s24;
	[dreg:$0x17] =	wrdreg s18  }
0x1e: {  	s23 =	sshrl.u32 s17, $0x3;
	s15 =	sadd.s32 $0x8000, s6;
	s24 =	sadd.s32 $0x4E0000, s2  }
0x1f: {  	[dreg:$0x19] =	wrdreg s29;
	s6 =	simm.s32 $0x2;
	s7 =	simm.s32 $0x6  }
0x20: {  	[dreg:$0x11] =	wrdreg s12;
	s12 =	sadd.s32 s1, s26;
	s26 =	smax.u32 s11, $0x1  }
0x21: {  	s28 =	sadd.s32 s2, s23;
	[dreg:$0x18] =	wrdreg s24;
	s1 =	simm.s32 $0x3300  }
0x22: {  	s23 =	simm.s32 $0x1;
	s24 =	simm.s32 $0x13480;
	s11 =	simm.s32 $0x3  }
0x23: {  	[dreg:$0x13] =	wrdreg s12;
	s0 =	sadd.s32 $0x26000, s28;
	s12 =	simm.s32 $0x0  }
.LBB2_1:
0x24: {  	s13 =	rddreg [dreg:$0x9]  }
0x25: {  	[tilespmem:s1], [sflag:$0x1] =	stream.linear.gather [hbm4b:s13+s4], $0x180, $0x38;
	[tilespmem:$0x1F580] =	vst v63  }
0x26: {  	_ =	swait.ge [sflag:s23], $0x180  }
0x27: {  	[sflag:s23] =	ssyncset.done $0x0  }
0x28: {  	[sflag:s23] =	ssyncadd.s32 $0xFFFFFE80  }
0x29: {  	s14 =	simm.s32 $0x180;
	s29 =	rddreg [dreg:$0x4]  }
0x2a: {  	[tilespmem:s24], [sflag:$0x5] =	stream.indirect.gather [hbm4b:s29+s14], $0x80, s1, s14, $0xb8;
	[tilespmem:$0x1F580] =	vst v63  }
0x2b: {  	s13 =	sshrl.u32 @!p0 s3, $0x3;
	s16 =	rddreg [dreg:$0x8];
	s14 =	simm.s32 @!p0 $0x1C06  }
0x2c: {  	[spmem:s13], [sflag:s14] =	dma.local @!p0 [hbm:s16], $0x200  }
0x2d: {  	s13 =	simm.s32 @!p0 $0x6  }
0x2e: {  	_ =	swait.ge @!p0 [sflag:s13], $0x200  }
0x2f: {  	[sflag:s13] =	ssyncset.done @!p0 $0x0  }
0x30: {  	[sflag:s13] =	ssyncadd.s32 @!p0 $0xFFFFFE00  }
0x31: {  	[tilespmem:s4], [sflag:$0x1] =	stream.linear.gather [hbm4b:s19+s4], $0x4E0, $0x38;
	[tilespmem:$0x1F580] =	vst v63  }
0x32: {  	_ = 	snop  }
0x33: {  	[tilespmem:s30], [sflag:$0x1] =	stream.linear.gather [hbm4b:s20+s4], $0x4E0, $0x38;
	[tilespmem:$0x1F580] =	vst v63  }
0x34: {  	_ =	swait.ge [sflag:s23], $0x4E0  }
0x35: {  	[sflag:s23] =	ssyncset.done $0x0  }
0x36: {  	[sflag:s23] =	ssyncadd.s32 $0xFFFFFB20  }
0x37: {  	_ =	swait.ge [sflag:s23], $0x4E0  }
0x38: {  	[sflag:s23] =	ssyncset.done $0x0  }
0x39: {  	s13 =	simm.s32 $0x0;
	[sflag:s23] =	ssyncadd.s32 $0xFFFFFB20  }
0x3a: {  	v0 =	vld [tilespmem:s13+$0x0]  }
0x3b: {  	s14 =	simm.s32 $0x40;
	v1 =	vld [tilespmem:s13+$0x500]  }
.LBB2_2:
0x3c: {  	p2 =	sne.s32 s14, $0x1340  }
.Ltmp0:
0x3d: {  	_ = 	snop;
	(pc) =	sbr.rel @p2 .LBB2_2-.Ltmp0, $4  }
0x3e: {  	_ = 	snop  }
0x3f: {  	s16 =	sshra.s32 s14, $0x2;
	s14 =	sadd.s32 $0x40, s14;
	v2 =	vshll.u32 v0, $0x2  }
0x40: {  	v0 =	vld [tilespmem:s16+$0x0];
	v2 =	vadd.s32 v1, v2  }
0x41: {  	v1 =	vld [tilespmem:s16+$0x500];
	[tilespmem:s13+$0xA00] =	vst v2;
	s13 =	smov.u32 s16  }
0x42: {  	_ =	sdelay $0x2  }
0x43: {  	v0 =	vshll.u32 v0, $0x2  }
0x44: {  	v0 =	vadd.s32 v1, v0  }
0x45: {  	s18 =	simm.s32 $0x0;
	s14 =	rddreg [dreg:$0xa];
	[tilespmem:s13+$0xA00] =	vst v0  }
0x46: {  	[tilespmem:s18], [sflag:$0x1] =	stream.linear.gather [hbm4b:s14+s18], $0x4E0, $0x38;
	[tilespmem:$0x1F580] =	vst v63  }
0x47: {  	s29 =	rddreg [dreg:$0xb]  }
0x48: {  	[tilespmem:s30], [sflag:$0x1] =	stream.linear.gather [hbm4b:s29+s18], $0x4E0, $0x38;
	[tilespmem:$0x1F580] =	vst v63  }
0x49: {  	_ =	swait.ge [sflag:s23], $0x4E0  }
0x4a: {  	[sflag:s23] =	ssyncset.done $0x0  }
0x4b: {  	[sflag:s23] =	ssyncadd.s32 $0xFFFFFB20  }
0x4c: {  	_ =	swait.ge [sflag:s23], $0x4E0  }
0x4d: {  	[sflag:s23] =	ssyncset.done $0x0  }
0x4e: {  	s13 =	simm.s32 $0x0;
	[sflag:s23] =	ssyncadd.s32 $0xFFFFFB20  }
0x4f: {  	v0 =	vld [tilespmem:s13+$0x0]  }
0x50: {  	s14 =	simm.s32 $0x40;
	v1 =	vld [tilespmem:s13+$0x500]  }
.LBB2_4:
0x51: {  	p2 =	sne.s32 s14, $0x1340  }
.Ltmp1:
0x52: {  	_ = 	snop;
	(pc) =	sbr.rel @p2 .LBB2_4-.Ltmp1, $4  }
0x53: {  	_ = 	snop  }
0x54: {  	s16 =	sshra.s32 s14, $0x2;
	s14 =	sadd.s32 $0x40, s14;
	v2 =	vshll.u32 v0, $0x2  }
0x55: {  	v0 =	vld [tilespmem:s16+$0x0];
	v2 =	vadd.s32 v1, v2  }
0x56: {  	v1 =	vld [tilespmem:s16+$0x500];
	[tilespmem:s13+$0xEE0] =	vst v2;
	s13 =	smov.u32 s16  }
0x57: {  	_ =	sdelay $0x2  }
0x58: {  	v0 =	vshll.u32 v0, $0x2  }
0x59: {  	v0 =	vadd.s32 v1, v0  }
0x5a: {  	s18 =	simm.s32 $0x0;
	s14 =	rddreg [dreg:$0xc];
	[tilespmem:s13+$0xEE0] =	vst v0  }
0x5b: {  	[tilespmem:s18], [sflag:$0x1] =	stream.linear.gather [hbm4b:s14+s18], $0x4E0, $0x38;
	[tilespmem:$0x1F580] =	vst v63  }
0x5c: {  	s29 =	rddreg [dreg:$0xd]  }
0x5d: {  	[tilespmem:s30], [sflag:$0x1] =	stream.linear.gather [hbm4b:s29+s18], $0x4E0, $0x38;
	[tilespmem:$0x1F580] =	vst v63  }
0x5e: {  	_ =	swait.ge [sflag:s23], $0x4E0  }
0x5f: {  	[sflag:s23] =	ssyncset.done $0x0  }
0x60: {  	[sflag:s23] =	ssyncadd.s32 $0xFFFFFB20  }
0x61: {  	_ =	swait.ge [sflag:s23], $0x4E0  }
0x62: {  	[sflag:s23] =	ssyncset.done $0x0  }
0x63: {  	s13 =	simm.s32 $0x0;
	[sflag:s23] =	ssyncadd.s32 $0xFFFFFB20  }
0x64: {  	v0 =	vld [tilespmem:s13+$0x0]  }
0x65: {  	s14 =	simm.s32 $0x40;
	v1 =	vld [tilespmem:s13+$0x500]  }
.LBB2_6:
0x66: {  	p2 =	sne.s32 s14, $0x1340  }
.Ltmp2:
0x67: {  	_ = 	snop;
	(pc) =	sbr.rel @p2 .LBB2_6-.Ltmp2, $4  }
0x68: {  	_ = 	snop  }
0x69: {  	s16 =	sshra.s32 s14, $0x2;
	s14 =	sadd.s32 $0x40, s14;
	v2 =	vshll.u32 v0, $0x2  }
0x6a: {  	v0 =	vld [tilespmem:s16+$0x0];
	v2 =	vadd.s32 v1, v2  }
0x6b: {  	v1 =	vld [tilespmem:s16+$0x500];
	[tilespmem:s13+$0x13C0] =	vst v2;
	s13 =	smov.u32 s16  }
0x6c: {  	_ =	sdelay $0x2  }
0x6d: {  	v0 =	vshll.u32 v0, $0x2  }
0x6e: {  	v0 =	vadd.s32 v1, v0  }
0x6f: {  	s18 =	simm.s32 $0x0;
	s14 =	rddreg [dreg:$0xe];
	[tilespmem:s13+$0x13C0] =	vst v0  }
0x70: {  	[tilespmem:s18], [sflag:$0x1] =	stream.linear.gather [hbm4b:s14+s18], $0x4E0, $0x38;
	[tilespmem:$0x1F580] =	vst v63  }
0x71: {  	s29 =	rddreg [dreg:$0xf]  }
0x72: {  	[tilespmem:s30], [sflag:$0x1] =	stream.linear.gather [hbm4b:s29+s18], $0x4E0, $0x38;
	[tilespmem:$0x1F580] =	vst v63  }
0x73: {  	_ =	swait.ge [sflag:s23], $0x4E0  }
0x74: {  	[sflag:s23] =	ssyncset.done $0x0  }
0x75: {  	[sflag:s23] =	ssyncadd.s32 $0xFFFFFB20  }
0x76: {  	_ =	swait.ge [sflag:s23], $0x4E0  }
0x77: {  	[sflag:s23] =	ssyncset.done $0x0  }
0x78: {  	s13 =	simm.s32 $0x0;
	[sflag:s23] =	ssyncadd.s32 $0xFFFFFB20  }
0x79: {  	v0 =	vld [tilespmem:s13+$0x0]  }
0x7a: {  	s14 =	simm.s32 $0x40;
	v1 =	vld [tilespmem:s13+$0x500]  }
.LBB2_8:
0x7b: {  	p2 =	sne.s32 s14, $0x1340  }
.Ltmp3:
0x7c: {  	_ = 	snop;
	(pc) =	sbr.rel @p2 .LBB2_8-.Ltmp3, $4  }
0x7d: {  	_ = 	snop  }
0x7e: {  	s16 =	sshra.s32 s14, $0x2;
	s14 =	sadd.s32 $0x40, s14;
	v2 =	vshll.u32 v0, $0x2  }
0x7f: {  	v0 =	vld [tilespmem:s16+$0x0];
	v2 =	vadd.s32 v1, v2  }
0x80: {  	v1 =	vld [tilespmem:s16+$0x500];
	[tilespmem:s13+$0x18A0] =	vst v2;
	s13 =	smov.u32 s16  }
0x81: {  	_ =	sdelay $0x2  }
0x82: {  	v0 =	vshll.u32 v0, $0x2  }
0x83: {  	v0 =	vadd.s32 v1, v0  }
0x84: {  	s14 =	rddreg [dreg:$0x10];
	[tilespmem:s13+$0x18A0] =	vst v0;
	s13 =	simm.s32 $0x0  }
0x85: {  	[tilespmem:s13], [sflag:$0x1] =	stream.linear.gather [hbm4b:s14+s13], $0x4E0, $0x38;
	[tilespmem:$0x1F580] =	vst v63  }
0x86: {  	s16 =	rddreg [dreg:$0x11];
	s14 =	simm.s32 $0x500  }
0x87: {  	[tilespmem:s14], [sflag:$0x1] =	stream.linear.gather [hbm4b:s16+s13], $0x4E0, $0x38;
	[tilespmem:$0x1F580] =	vst v63  }
0x88: {  	_ =	swait.ge [sflag:s23], $0x4E0  }
0x89: {  	[sflag:s23] =	ssyncset.done $0x0  }
0x8a: {  	[sflag:s23] =	ssyncadd.s32 $0xFFFFFB20  }
0x8b: {  	_ =	swait.ge [sflag:s23], $0x4E0  }
0x8c: {  	[sflag:s23] =	ssyncset.done $0x0  }
0x8d: {  	[sflag:s23] =	ssyncadd.s32 $0xFFFFFB20  }
0x8e: {  	s29 =	simm.s32 $0x10;
	s16 =	simm.s32 $0x0;
	v0 =	vld [tilespmem:s13+$0x0]  }
.LBB2_10:
0x8f: {  	p2 =	sne.s32 s29, $0x4D0;
	v1 =	vld [tilespmem:s14+$0x0];
	_ =	sdelay $0x2  }
.Ltmp4:
0x90: {  	(pc) =	sbr.rel @p2 .LBB2_10-.Ltmp4, $4  }
0x91: {  	v0 =	vshll.u32 v0, $0x2  }
0x92: {  	s17 =	sand.u32 $0x7F0, s13;
	s13 =	smov.u32 s29;
	v0 =	vadd.s32 v1, v0  }
0x93: {  	s16 =	sadd.s32 $0x10, s16;
	[tilespmem:s17+$0x1D80] =	vst v0  }
0x94: {  	s29 =	sadd.s32 $0x10, s29;
	s14 =	sadd.s32 $0x10, s14;
	v0 =	vld [tilespmem:s16+$0x0]  }
0x95: {  	v1 =	vld [tilespmem:s14+$0x0];
	_ =	sdelay $0x3  }
0x96: {  	v0 =	vshll.u32 v0, $0x2  }
0x97: {  	s13 =	sand.u32 $0x7F0, s13;
	v0 =	vadd.s32 v1, v0  }
0x98: {  	s17 =	simm.s32 $0x0;
	s18 =	rddreg [dreg:$0x12];
	[tilespmem:s13+$0x1D80] =	vst v0  }
0x99: {  	[tilespmem:s17], [sflag:$0x1] =	stream.linear.gather [hbm4b:s18+s17], $0x4E0, $0x38;
	[tilespmem:$0x1F580] =	vst v63  }
0x9a: {  	s29 =	rddreg [dreg:$0x13]  }
0x9b: {  	[tilespmem:s30], [sflag:$0x1] =	stream.linear.gather [hbm4b:s29+s17], $0x4E0, $0x38;
	[tilespmem:$0x1F580] =	vst v63  }
0x9c: {  	_ =	swait.ge [sflag:s23], $0x4E0  }
0x9d: {  	[sflag:s23] =	ssyncset.done $0x0  }
0x9e: {  	[sflag:s23] =	ssyncadd.s32 $0xFFFFFB20  }
0x9f: {  	_ =	swait.ge [sflag:s23], $0x4E0  }
0xa0: {  	[sflag:s23] =	ssyncset.done $0x0  }
0xa1: {  	s13 =	simm.s32 $0x0;
	[sflag:s23] =	ssyncadd.s32 $0xFFFFFB20  }
0xa2: {  	v0 =	vld [tilespmem:s13+$0x0]  }
0xa3: {  	s14 =	simm.s32 $0x40;
	v1 =	vld [tilespmem:s13+$0x500]  }
.LBB2_12:
0xa4: {  	p2 =	sne.s32 s14, $0x1340  }
.Ltmp5:
0xa5: {  	_ = 	snop;
	(pc) =	sbr.rel @p2 .LBB2_12-.Ltmp5, $4  }
0xa6: {  	_ = 	snop  }
0xa7: {  	s16 =	sshra.s32 s14, $0x2;
	s14 =	sadd.s32 $0x40, s14;
	v2 =	vshll.u32 v0, $0x2  }
0xa8: {  	v0 =	vld [tilespmem:s16+$0x0];
	v2 =	vadd.s32 v1, v2  }
0xa9: {  	v1 =	vld [tilespmem:s16+$0x500];
	[tilespmem:s13+$0x2260] =	vst v2;
	s13 =	smov.u32 s16  }
0xaa: {  	_ =	sdelay $0x2  }
0xab: {  	v0 =	vshll.u32 v0, $0x2  }
0xac: {  	v0 =	vadd.s32 v1, v0  }
0xad: {  	s18 =	simm.s32 $0x0;
	s14 =	rddreg [dreg:$0x14];
	[tilespmem:s13+$0x2260] =	vst v0  }
0xae: {  	[tilespmem:s18], [sflag:$0x1] =	stream.linear.gather [hbm4b:s14+s18], $0x4E0, $0x38;
	[tilespmem:$0x1F580] =	vst v63  }
0xaf: {  	s29 =	rddreg [dreg:$0x15]  }
0xb0: {  	[tilespmem:s30], [sflag:$0x1] =	stream.linear.gather [hbm4b:s29+s18], $0x4E0, $0x38;
	[tilespmem:$0x1F580] =	vst v63  }
0xb1: {  	_ =	swait.ge [sflag:s23], $0x4E0  }
0xb2: {  	[sflag:s23] =	ssyncset.done $0x0  }
0xb3: {  	[sflag:s23] =	ssyncadd.s32 $0xFFFFFB20  }
0xb4: {  	_ =	swait.ge [sflag:s23], $0x4E0  }
0xb5: {  	[sflag:s23] =	ssyncset.done $0x0  }
0xb6: {  	s13 =	simm.s32 $0x0;
	[sflag:s23] =	ssyncadd.s32 $0xFFFFFB20  }
0xb7: {  	v0 =	vld [tilespmem:s13+$0x0]  }
0xb8: {  	s14 =	simm.s32 $0x40;
	v1 =	vld [tilespmem:s13+$0x500]  }
.LBB2_14:
0xb9: {  	p2 =	sne.s32 s14, $0x1340  }
.Ltmp6:
0xba: {  	_ = 	snop;
	(pc) =	sbr.rel @p2 .LBB2_14-.Ltmp6, $4  }
0xbb: {  	_ = 	snop  }
0xbc: {  	s16 =	sshra.s32 s14, $0x2;
	s14 =	sadd.s32 $0x40, s14;
	v2 =	vshll.u32 v0, $0x2  }
0xbd: {  	v0 =	vld [tilespmem:s16+$0x0];
	v2 =	vadd.s32 v1, v2  }
0xbe: {  	v1 =	vld [tilespmem:s16+$0x500];
	[tilespmem:s13+$0x2740] =	vst v2;
	s13 =	smov.u32 s16  }
0xbf: {  	_ =	sdelay $0x2  }
0xc0: {  	v0 =	vshll.u32 v0, $0x2  }
0xc1: {  	v0 =	vadd.s32 v1, v0  }
0xc2: {  	s29 =	simm.s32 $0x0;
	[tilespmem:s13+$0x2740] =	vst v0  }
0xc3: {  	[tilespmem:s29], [sflag:$0x1] =	stream.linear.gather [hbm4b:s21+s29], $0x4E0, $0x38;
	[tilespmem:$0x1F580] =	vst v63  }
0xc4: {  	_ = 	snop  }
0xc5: {  	[tilespmem:s30], [sflag:$0x1] =	stream.linear.gather [hbm4b:s22+s29], $0x4E0, $0x38;
	[tilespmem:$0x1F580] =	vst v63  }
0xc6: {  	_ =	swait.ge [sflag:s23], $0x4E0  }
0xc7: {  	[sflag:s23] =	ssyncset.done $0x0  }
0xc8: {  	[sflag:s23] =	ssyncadd.s32 $0xFFFFFB20  }
0xc9: {  	_ =	swait.ge [sflag:s23], $0x4E0  }
0xca: {  	[sflag:s23] =	ssyncset.done $0x0  }
0xcb: {  	s13 =	simm.s32 $0x0;
	[sflag:s23] =	ssyncadd.s32 $0xFFFFFB20  }
0xcc: {  	v0 =	vld [tilespmem:s13+$0x0]  }
0xcd: {  	s14 =	simm.s32 $0x40;
	v1 =	vld [tilespmem:s13+$0x500]  }
.LBB2_16:
0xce: {  	p2 =	sne.s32 s14, $0x1340  }
.Ltmp7:
0xcf: {  	_ = 	snop;
	(pc) =	sbr.rel @p2 .LBB2_16-.Ltmp7, $4  }
0xd0: {  	_ = 	snop  }
0xd1: {  	s16 =	sshra.s32 s14, $0x2;
	s14 =	sadd.s32 $0x40, s14;
	v2 =	vshll.u32 v0, $0x2  }
0xd2: {  	v0 =	vld [tilespmem:s16+$0x0];
	v2 =	vadd.s32 v1, v2  }
0xd3: {  	v1 =	vld [tilespmem:s16+$0x500];
	[tilespmem:s13+$0x2C20] =	vst v2;
	s13 =	smov.u32 s16  }
0xd4: {  	_ =	sdelay $0x2  }
.Ltmp8:
0xd5: {  	v0 =	vshll.u32 v0, $0x2;
	(pc) =	sbr.rel @p1 .LBB2_21-.Ltmp8, $3  }
0xd6: {  	v0 =	vadd.s32 v1, v0  }
0xd7: {  	[tilespmem:s13+$0x2C20] =	vst v0  }
0xd8: {  	[bflag:$0x0] =	sbarrier.arrive $0xFFFF;
	_ =	sdelay $0x1  }
0xd9: {  	s13 =	simm.s32 $0x0;
	s14 =	rddreg [dreg:$0x16]  }
0xda: {  	[tilespmem:s13], [sflag:$0x1] =	stream.linear.gather [hbm4b:s14+s13], $0x200, $0x38;
	[tilespmem:$0x1F580] =	vst v63  }
0xdb: {  	s29 =	rddreg [dreg:$0x17]  }
0xdc: {  	[tilespmem:s30], [sflag:$0x1] =	stream.linear.gather [hbm4b:s29+s13], $0x200, $0x38;
	[tilespmem:$0x1F580] =	vst v63  }
0xdd: {  	_ =	swait.ge [sflag:s23], $0x200  }
0xde: {  	[sflag:s23] =	ssyncset.done $0x0  }
0xdf: {  	[sflag:s23] =	ssyncadd.s32 $0xFFFFFE00  }
0xe0: {  	_ =	swait.ge [sflag:s23], $0x200  }
0xe1: {  	[sflag:s23] =	ssyncset.done $0x0  }
0xe2: {  	s13 =	simm.s32 $0x0;
	[sflag:s23] =	ssyncadd.s32 $0xFFFFFE00  }
0xe3: {  	v0 =	vld [tilespmem:s13+$0x0]  }
0xe4: {  	s14 =	simm.s32 $0x40;
	v1 =	vld [tilespmem:s13+$0x500]  }
.LBB2_19:
0xe5: {  	p2 =	sne.s32 s14, $0x7C0  }
.Ltmp9:
0xe6: {  	_ = 	snop;
	(pc) =	sbr.rel @p2 .LBB2_19-.Ltmp9, $4  }
0xe7: {  	_ = 	snop  }
0xe8: {  	s16 =	sshra.s32 s14, $0x2;
	s14 =	sadd.s32 $0x40, s14;
	v2 =	vshll.u32 v0, $0x2  }
0xe9: {  	v0 =	vld [tilespmem:s16+$0x0];
	v2 =	vadd.s32 v1, v2  }
0xea: {  	v1 =	vld [tilespmem:s16+$0x500];
	[tilespmem:s13+$0x3100] =	vst v2;
	s13 =	smov.u32 s16  }
0xeb: {  	_ =	sdelay $0x2  }
0xec: {  	v0 =	vshll.u32 v0, $0x2  }
0xed: {  	v0 =	vadd.s32 v1, v0  }
0xee: {  	s16 =	simm.s32 $0x3100;
	[tilespmem:s13+$0x3100] =	vst v0  }
0xef: {  	[tilespmem:s5], [sflag:$0x2] =	stream.indirect.gather [spmem:s3], $0x80, s16, s31, $0xb8;
	[tilespmem:$0x1F580] =	vst v63  }
0xf0: {  	_ =	swait.ge [sflag:s6], $0x8000  }
0xf1: {  	[sflag:s6] =	ssyncset.done $0x0  }
0xf2: {  	s17 =	rddreg [dreg:$0x18];
	[sflag:s6] =	ssyncadd.s32 $0xFFFF8000  }
0xf3: {  	[hbm4b:s17+s4] =	stream.linear.scatter [tilespmem:s5], [sflag:$0x6], $0x8000, $0x38;
	[tilespmem:$0x1F580] =	vst v63  }
0xf4: {  	_ =	swait.ge [sflag:s7], $0x8000  }
0xf5: {  	[sflag:s7] =	ssyncset.done $0x0  }
0xf6: {  	s18 =	simm.s32 $0x3200;
	[sflag:s7] =	ssyncadd.s32 $0xFFFF8000  }
0xf7: {  	[tilespmem:s5], [sflag:$0x2] =	stream.indirect.gather [spmem:s3], $0x80, s18, s31, $0xb8;
	[tilespmem:$0x1F580] =	vst v63  }
0xf8: {  	_ =	swait.ge [sflag:s6], $0x8000  }
0xf9: {  	[sflag:s6] =	ssyncset.done $0x0  }
0xfa: {  	s29 =	rddreg [dreg:$0x19];
	[sflag:s6] =	ssyncadd.s32 $0xFFFF8000  }
0xfb: {  	[hbm4b:s29+s4] =	stream.linear.scatter [tilespmem:s5], [sflag:$0x6], $0x8000, $0x38;
	[tilespmem:$0x1F580] =	vst v63  }
0xfc: {  	_ =	swait.ge [sflag:s7], $0x8000  }
0xfd: {  	[sflag:s7] =	ssyncset.done $0x0  }
0xfe: {  	[sflag:s7] =	ssyncadd.s32 $0xFFFF8000  }
.LBB2_21:
0xff: {  	s13 =	simm.s32 $0xA00  }
0x100: {  	[tilespmem:s5], [sflag:$0x2] =	stream.indirect.gather [spmem:s3], $0x80, s13, s31, $0xb8;
	[tilespmem:$0x1F580] =	vst v63  }
0x101: {  	s18 =	simm.s32 $0xB00  }
0x102: {  	[tilespmem:s8], [sflag:$0x3] =	stream.indirect.gather [spmem:s3], $0x80, s18, s31, $0xb8;
	[tilespmem:$0x1F580] =	vst v63  }
0x103: {  	_ =	swait.ge [sflag:s6], $0x8000  }
0x104: {  	s14 =	simm.s32 $0xC00;
	[sflag:s6] =	ssyncset.done $0x0  }
0x105: {  	s29 =	smov.u32 s15;
	s13 =	simm.s32 $0x1;
	[sflag:s6] =	ssyncadd.s32 $0xFFFF8000  }
0x106: {  	[hbm4b:s28+s4] =	stream.linear.scatter [tilespmem:s5], [sflag:$0x4], $0x8000, $0x38;
	[tilespmem:$0x1F580] =	vst v63  }
.LBB2_22:
0x107: {  	s16 =	sand.u32 $0x1, s13  }
0x108: {  	p2 =	seq.s32 s16, $0x1  }
0x109: {  	s16 =	simm.s32 @!p2 $0x4  }
0x10a: {  	_ =	swait.ge @!p2 [sflag:s16], $0x8000  }
0x10b: {  	[sflag:s16] =	ssyncset.done @!p2 $0x0  }
0x10c: {  	s17 =	simm.s32 @!p2 $0xB480;
	[sflag:s16] =	ssyncadd.s32 @!p2 $0xFFFF8000;
	s16 =	simm.s32 @!p2 $0x100  }
0x10d: {  	[tilespmem:s17], [sflag:$0x3] =	stream.indirect.gather @!p2 [spmem:s3], $0x80, s14, s16, $0xb8;
	[tilespmem:$0x1F580] =	vst v63  }
0x10e: {  	s16 =	simm.s32 @!p2 $0x2  }
0x10f: {  	_ =	swait.ge @!p2 [sflag:s16], $0x8000  }
0x110: {  	[sflag:s16] =	ssyncset.done @!p2 $0x0  }
0x111: {  	[sflag:s16] =	ssyncadd.s32 @!p2 $0xFFFF8000;
	s16 =	sshrl.u32 @!p2 s29, $0x3  }
0x112: {  	s18 =	simm.s32 @!p2 $0x3480;
	s17 =	simm.s32 @!p2 $0x0;
	s16 =	sadd.s32 @!p2 s2, s16  }
0x113: {  	[hbm4b:s16+s17] =	stream.linear.scatter @!p2 [tilespmem:s18], [sflag:$0x4], $0x8000, $0x38;
	[tilespmem:$0x1F580] =	vst v63  }
0x114: {  	s16 =	sand.u32 @!p2 $0x1, s13  }
0x115: {  	p3 =	seq.s32 @!p2 s16, $0x0  }
0x116: {  	p2 =	por p2, !p3  }
0x117: {  	_ =	swait.ge @p2 [sflag:s9], $0x8000  }
0x118: {  	[sflag:s9] =	ssyncset.done @p2 $0x0  }
0x119: {  	[sflag:s9] =	ssyncadd.s32 @p2 $0xFFFF8000  }
0x11a: {  	[tilespmem:s5], [sflag:$0x2] =	stream.indirect.gather @p2 [spmem:s3], $0x80, s14, s31, $0xb8;
	[tilespmem:$0x1F580] =	vst v63  }
0x11b: {  	_ =	swait.ge @p2 [sflag:s11], $0x8000  }
0x11c: {  	s16 =	sshrl.u32 @p2 s29, $0x3;
	[sflag:s11] =	ssyncset.done @p2 $0x0  }
0x11d: {  	s13 =	sadd.s32 $0x1, s13;
	s16 =	sadd.s32 @p2 s2, s16;
	[sflag:s11] =	ssyncadd.s32 @p2 $0xFFFF8000  }
0x11e: {  	[hbm4b:s16+s4] =	stream.linear.scatter @p2 [tilespmem:s8], [sflag:$0x4], $0x8000, $0x38;
	[tilespmem:$0x1F580] =	vst v63  }
0x11f: {  	p2 =	sne.s32 s13, $0x26  }
.Ltmp10:
0x120: {  	_ = 	snop;
	(pc) =	sbr.rel @p2 .LBB2_22-.Ltmp10, $2  }
0x121: {  	_ =	sdelay $0x2  }
0x122: {  	s29 =	sadd.s32 $0x8000, s29;
	s14 =	sadd.s32 $0x100, s14  }
0x123: {  	_ =	swait.ge [sflag:s9], $0x8000  }
0x124: {  	[sflag:s9] =	ssyncset.done $0x0  }
0x125: {  	[sflag:s9] =	ssyncadd.s32 $0xFFFF8000  }
0x126: {  	_ =	swait.ge [sflag:s6], $0x8000  }
0x127: {  	[sflag:s6] =	ssyncset.done $0x0  }
0x128: {  	[sflag:s6] =	ssyncadd.s32 $0xFFFF8000  }
0x129: {  	[hbm4b:s0+s4] =	stream.linear.scatter [tilespmem:s5], [sflag:$0x4], $0x8000, $0x38;
	[tilespmem:$0x1F580] =	vst v63  }
0x12a: {  	_ =	swait.ge [sflag:s9], $0x8000  }
0x12b: {  	[sflag:s9] =	ssyncset.done $0x0  }
0x12c: {  	[sflag:s9] =	ssyncadd.s32 $0xFFFF8000  }
0x12d: {  	s12 =	sadd.s32 $0x1, s12;
	_ =	swait.ge [sflag:s10], $0xC000  }
0x12e: {  	p2 =	sne.s32 s12, s26;
	[sflag:s10] =	ssyncset.done $0x0  }
.Ltmp11:
0x12f: {  	[sflag:s10] =	ssyncadd.s32 $0xFFFF4000;
	(pc) =	sbr.rel @p2 .LBB2_1-.Ltmp11, $4  }
0x130: {  	[hbm4b:s25+s4] =	stream.linear.scatter [tilespmem:s24], [sflag:$0x6], $0xC000, $0x38;
	[tilespmem:$0x1F580] =	vst v63  }
0x131: {  	_ =	swait.ge [sflag:s7], $0xC000  }
0x132: {  	[sflag:s7] =	ssyncset.done $0x0  }
0x133: {  	[sflag:s7] =	ssyncadd.s32 $0xFFFF4000  }
0x134: {  	_ =	sfence.sel $0x180000  }
0x135: {  	[bflag:$0x0] =	sbarrier.arrive $0xFFFF  }
0x136: {  	_ =	strace $0x90000047  }
0x137: {  	[bflag:$0x2] =	sbarrier.arrive $0xFFFF  }
0x138: {  	s0 =	rddreg [dreg:$0x7]  }
0x139: {  	s0 =	sadd.s32 @!p0 $0x100000, s0  }
0x13a: {  	[sflag:s0] =	ssyncadd.tile.s32 @!p0 $0x1;
	_ =	shalt  }
.Lfunc_end2:
_tile_overlayer_lowered:
.L_overlay_start_2:
0x13b: {  	(tag) =	ssettag $0x2  }
0x13c: {  	s0 =	rddreg [dreg:$0x0];
	s2 =	stileid.u32  }
0x13d: {  	s1 =	rddreg [dreg:$0x1];
	p0 =	sne.s32 s2, $0x0  }
0x13e: {  	s3 =	rddreg [dreg:$0x2];
	[bflag:$0x3] =	sbarrier.arrive $0xFFFF;
	s2 =	simm.s32 @!p0 $0x1C06  }
0x13f: {  	[timem:s3], [sflag:s2] =	dma.local @!p0 [hbm:s0], s1  }
0x140: {  	s0 =	simm.s32 @!p0 $0x6  }
0x141: {  	_ =	swait.ge @!p0 [sflag:s0], s1  }
0x142: {  	s1 =	ssub.s32 @!p0 $0x0, s1;
	[sflag:s0] =	ssyncset.done @!p0 $0x0  }
0x143: {  	[sflag:s0] =	ssyncadd.s32 @!p0 s1  }
0x144: {  	[bflag:$0x3] =	sbarrier.arrive $0xFFFF  }
0x145: {  	_ =	shalt  }

</sc_bundles>
